<compile_context>
chip_gen: v7x
topology: tpu7x:2x2x1
jax: 0.10.2.dev20260603
libtpu: 0.0.44.dev20260713+nightly
codegen_flags: <defaults>
</compile_context>

<pallas_src>
import functools

import jax
import jax.numpy as jnp
from jax import lax
from jax.experimental import pallas as pl
from jax.experimental.pallas import tpu as pltpu
from jax.experimental.pallas import tpu_sc as plsc

VOCAB = 1000
D = 2048
B = 4
S = 4096
NTOK = B * S

NC = 2
NS = 16
NW = NC * NS
TOK_PER_W = NTOK // NW


def _proj_body(emb_ref, w_ref, b_ref, out_ref):
    acc = lax.dot_general(
        emb_ref[...], w_ref[...],
        dimension_numbers=(((1,), (1,)), ((), ())),
        preferred_element_type=jnp.float32,
    )
    out_ref[...] = acc + b_ref[...]


_NBLK = 4


def _project_table(emb, W, bias):
    blk = D // _NBLK
    return pl.pallas_call(
        _proj_body,
        grid=(_NBLK,),
        in_specs=[
            pl.BlockSpec((VOCAB, D), lambda i: (0, 0)),
            pl.BlockSpec((blk, D), lambda i: (i, 0)),
            pl.BlockSpec((1, blk), lambda i: (0, i)),
        ],
        out_specs=pl.BlockSpec((VOCAB, blk), lambda i: (0, i)),
        out_shape=jax.ShapeDtypeStruct((VOCAB, D), jnp.float32),
    )(emb, W, bias.reshape(1, D))


CH = 8
NB = 7
NCH = TOK_PER_W // CH
PRIME = NB - 1


def _gather_body(x_hbm, table_hbm, out_hbm, idx_v, rows_v,
                 gsem, *ssem):
    cid = lax.axis_index("c")
    sid = lax.axis_index("s")
    wid = sid * NC + cid
    pltpu.sync_copy(x_hbm.at[wid], idx_v)

    def gstart(c, buf):
        pltpu.async_copy(table_hbm.at[idx_v.at[pl.ds(c * CH, CH)]],
                         rows_v.at[buf], gsem)

    def gwait():
        pltpu.make_async_copy(table_hbm.at[idx_v.at[pl.ds(0, CH)]],
                              rows_v.at[0], gsem).wait()

    def sstart(c, buf):
        pltpu.async_copy(rows_v.at[buf],
                         out_hbm.at[wid, pl.ds(c * CH, CH)], ssem[buf])

    def swait(buf):
        pltpu.make_async_copy(rows_v.at[0],
                              out_hbm.at[wid, pl.ds(0, CH)], ssem[buf]).wait()

    for c in range(PRIME):
        gstart(c, c)
    gwait(); sstart(0, 0); gstart(PRIME, PRIME)

    def steady(g, carry):
        for j in range(NB):
            c = g * NB + j + 1
            b = (j + 1) % NB
            gwait(); sstart(c, b); swait((b + NB - 1) % NB)
            gstart(c + PRIME, (b + PRIME) % NB)
        return carry

    lax.fori_loop(0, (NCH - PRIME - 2) // NB, steady, 0)

    c0 = ((NCH - PRIME - 2) // NB) * NB + 1
    gwait(); sstart(c0, c0 % NB); swait((c0 - 1) % NB); gstart(c0 + PRIME, (c0 + PRIME) % NB)
    for c in range(c0 + 1, NCH):
        gwait(); sstart(c, c % NB); swait((c - 1) % NB)
    swait((NCH - 1) % NB)


_gather = functools.partial(
    pl.kernel,
    out_type=jax.ShapeDtypeStruct((NW, TOK_PER_W, D), jnp.float32),
    mesh=plsc.VectorSubcoreMesh(
        core_axis_name="c", subcore_axis_name="s",
        num_cores=NC, num_subcores=NS),
    scratch_types=[
        pltpu.VMEM((TOK_PER_W,), jnp.int32),
        pltpu.VMEM((NB, CH, D), jnp.float32),
        pltpu.SemaphoreType.DMA,
    ] + [pltpu.SemaphoreType.DMA] * NB,
)(_gather_body)


def kernel(x, emb, W, b):
    proj = _project_table(emb, W, b)
    idx = x.reshape(NW, TOK_PER_W)
    out = _gather(idx, proj)
    return out.reshape(B, S, D)

# --- scband reference (transcript-rebuilt; emitter-appended) ---
"""Pipeline reference for scband-encoder-40802189312348 (READ-ONLY COPY).

The authoritative reference and input builder live on the scoring server;
editing this copy changes nothing except your own understanding.
"""

import jax, jax.numpy as jnp
import numpy as np

VOCAB = 1000
D_MODEL = 2048
B = 4
S = 4096

def setup_inputs(seed: int = 0) -> dict:
    key = jax.random.key(seed)
    k1, k2, k3 = jax.random.split(key, 3)
    x = jax.random.randint(k1, (B, S), 0, VOCAB, dtype=jnp.int64) if jax.config.jax_enable_x64 else jax.random.randint(k1, (B, S), 0, VOCAB, dtype=jnp.int32)
    emb = jax.random.normal(k2, (VOCAB, D_MODEL), dtype=jnp.float32) * 0.02
    W = jax.random.normal(k3, (D_MODEL, D_MODEL), dtype=jnp.float32) * (1.0 / np.sqrt(D_MODEL))
    b = jnp.zeros((D_MODEL,), dtype=jnp.float32)
    return {"x": x, "emb": emb, "W": W, "b": b}

def reference(x, emb, W, b):
    # nn.Embedding: gather rows of the table
    h = jnp.take(emb, x, axis=0)  # [B, S, D]
    # nn.Linear: y = h @ W^T + b
    return h @ W.T + b

if __name__ == "__main__":
    import jax
    _d = setup_inputs()
    print(jax.jit(kernel)(*tuple(_d.values())))

</pallas_src>

<mosaic_0001>
#map = affine_map<(d0, d1) -> (0, 0)>
#map1 = affine_map<(d0, d1) -> (0, 0, 0)>
module attributes {stable_mosaic.version = 14 : i64} {
  func.func @_gather_body(%arg0: i32, %arg1: i32, %arg2: memref<32x512xi32, #tpu.memory_space<hbm>>, %arg3: memref<1000x2048xf32, #tpu.memory_space<hbm>>, %arg4: memref<32x512x2048xf32, #tpu.memory_space<hbm>>, %arg5: memref<512xi32, #tpu.memory_space<vmem>>, %arg6: memref<7x8x2048xf32, #tpu.memory_space<vmem>>, %arg7: memref<!tpu.dma_semaphore, #tpu.memory_space<semaphore_mem>>, %arg8: memref<!tpu.dma_semaphore, #tpu.memory_space<semaphore_mem>>, %arg9: memref<!tpu.dma_semaphore, #tpu.memory_space<semaphore_mem>>, %arg10: memref<!tpu.dma_semaphore, #tpu.memory_space<semaphore_mem>>, %arg11: memref<!tpu.dma_semaphore, #tpu.memory_space<semaphore_mem>>, %arg12: memref<!tpu.dma_semaphore, #tpu.memory_space<semaphore_mem>>, %arg13: memref<!tpu.dma_semaphore, #tpu.memory_space<semaphore_mem>>, %arg14: memref<!tpu.dma_semaphore, #tpu.memory_space<semaphore_mem>>) attributes {dimension_semantics = [#tpu.dimension_semantics<core_parallel>, #tpu.dimension_semantics<subcore_parallel>], iteration_bounds = array<i64: 2, 16>, scalar_prefetch = 0 : i64, scratch_operands = 10 : i64, tpu.core_type = #tpu.core_type<sc_vector_subcore>, window_params = [{transform_indices = #map}, {transform_indices = #map}, {transform_indices = #map1}]} {
    %mul3A = arith.constant 2 : i32
    %mul3A_0 = arith.muli %arg1, %mul3A : i32
    %add3A = arith.addi %mul3A_0, %arg0 : i32
    "tpu.region"() ({
      %run_scoped3A = tpu.sem_alloc : memref<!tpu.dma_semaphore, #tpu.memory_space<semaphore_mem>>
      %dma_start3A_436 = arith.constant 0 : i32
      %dma_start3A_437 = tpu.memref_slice %arg2[%add3A, %dma_start3A_436] : memref<32x512xi32, #tpu.memory_space<hbm>> -> memref<1x512xi32, #tpu.memory_space<hbm>>
      %dma_start3A_438 = tpu.memref_squeeze %dma_start3A_437 : memref<1x512xi32, #tpu.memory_space<hbm>> -> memref<512xi32, #tpu.memory_space<hbm>>
      %dma_start3A_439 = arith.constant 0 : i32
      %dma_start3A_440 = tpu.memref_slice %arg2[%add3A, %dma_start3A_439] : memref<32x512xi32, #tpu.memory_space<hbm>> -> memref<1x512xi32, #tpu.memory_space<hbm>>
      %dma_start3A_441 = tpu.memref_squeeze %dma_start3A_440 : memref<1x512xi32, #tpu.memory_space<hbm>> -> memref<512xi32, #tpu.memory_space<hbm>>
      tpu.enqueue_dma source(%dma_start3A_441 : memref<512xi32, #tpu.memory_space<hbm>>) target(%arg5 : memref<512xi32, #tpu.memory_space<vmem>>) target_semaphore(%run_scoped3A : memref<!tpu.dma_semaphore, #tpu.memory_space<semaphore_mem>>)
      %dma_wait3A_442 = arith.constant 0 : i32
      %dma_wait3A_443 = tpu.memref_slice %arg2[%add3A, %dma_wait3A_442] : memref<32x512xi32, #tpu.memory_space<hbm>> -> memref<1x512xi32, #tpu.memory_space<hbm>>
      %dma_wait3A_444 = tpu.memref_squeeze %dma_wait3A_443 : memref<1x512xi32, #tpu.memory_space<hbm>> -> memref<512xi32, #tpu.memory_space<hbm>>
      %dma_wait3A_445 = arith.constant 0 : i32
      %dma_wait3A_446 = tpu.memref_slice %arg2[%add3A, %dma_wait3A_445] : memref<32x512xi32, #tpu.memory_space<hbm>> -> memref<1x512xi32, #tpu.memory_space<hbm>>
      %dma_wait3A_447 = tpu.memref_squeeze %dma_wait3A_446 : memref<1x512xi32, #tpu.memory_space<hbm>> -> memref<512xi32, #tpu.memory_space<hbm>>
      tpu.wait_dma2 semaphore(%run_scoped3A : memref<!tpu.dma_semaphore, #tpu.memory_space<semaphore_mem>>) src(%dma_wait3A_447 : memref<512xi32, #tpu.memory_space<hbm>>) dst(%arg5 : memref<512xi32, #tpu.memory_space<vmem>>)
      tpu.yield
    }) : () -> ()
    %dma_start3A = arith.constant 0 : i32
    %dma_start3A_1 = arith.constant 0 : i32
    %dma_start3A_2 = arith.constant 0 : i32
    %dma_start3A_3 = tpu.memref_slice %arg6[%dma_start3A, %dma_start3A_1, %dma_start3A_2] : memref<7x8x2048xf32, #tpu.memory_space<vmem>> -> memref<1x8x2048xf32, #tpu.memory_space<vmem>>
    %dma_start3A_4 = tpu.memref_squeeze %dma_start3A_3 : memref<1x8x2048xf32, #tpu.memory_space<vmem>> -> memref<8x2048xf32, #tpu.memory_space<vmem>>
    %dma_start3A_5 = arith.constant 0 : i32
    %dma_start3A_6 = tpu.memref_slice %arg5[%dma_start3A_5] : memref<512xi32, #tpu.memory_space<vmem>> -> memref<8xi32, #tpu.memory_space<vmem>>
    %dma_start3A_7 = arith.constant 0 : i32
    %dma_start3A_8 = arith.constant 0 : i32
    %dma_start3A_9 = tpu.memref_slice %arg3[%dma_start3A_7, %dma_start3A_8] : memref<1000x2048xf32, #tpu.memory_space<hbm>> -> memref<1000x2048xf32, #tpu.memory_space<hbm>>
    tpu.enqueue_indirect_dma source(%dma_start3A_9 : memref<1000x2048xf32, #tpu.memory_space<hbm>>) target(%dma_start3A_4 : memref<8x2048xf32, #tpu.memory_space<vmem>>) offsets(%dma_start3A_6 : memref<8xi32, #tpu.memory_space<vmem>>) semaphore(%arg7 : memref<!tpu.dma_semaphore, #tpu.memory_space<semaphore_mem>>)
    %dma_start3A_10 = arith.constant 1 : i32
    %dma_start3A_11 = arith.constant 0 : i32
    %dma_start3A_12 = arith.constant 0 : i32
    %dma_start3A_13 = tpu.memref_slice %arg6[%dma_start3A_10, %dma_start3A_11, %dma_start3A_12] : memref<7x8x2048xf32, #tpu.memory_space<vmem>> -> memref<1x8x2048xf32, #tpu.memory_space<vmem>>
    %dma_start3A_14 = tpu.memref_squeeze %dma_start3A_13 : memref<1x8x2048xf32, #tpu.memory_space<vmem>> -> memref<8x2048xf32, #tpu.memory_space<vmem>>
    %dma_start3A_15 = arith.constant 8 : i32
    %dma_start3A_16 = tpu.memref_slice %arg5[%dma_start3A_15] : memref<512xi32, #tpu.memory_space<vmem>> -> memref<8xi32, #tpu.memory_space<vmem>>
    %dma_start3A_17 = arith.constant 0 : i32
    %dma_start3A_18 = arith.constant 0 : i32
    %dma_start3A_19 = tpu.memref_slice %arg3[%dma_start3A_17, %dma_start3A_18] : memref<1000x2048xf32, #tpu.memory_space<hbm>> -> memref<1000x2048xf32, #tpu.memory_space<hbm>>
    tpu.enqueue_indirect_dma source(%dma_start3A_19 : memref<1000x2048xf32, #tpu.memory_space<hbm>>) target(%dma_start3A_14 : memref<8x2048xf32, #tpu.memory_space<vmem>>) offsets(%dma_start3A_16 : memref<8xi32, #tpu.memory_space<vmem>>) semaphore(%arg7 : memref<!tpu.dma_semaphore, #tpu.memory_space<semaphore_mem>>)
    %dma_start3A_20 = arith.constant 2 : i32
    %dma_start3A_21 = arith.constant 0 : i32
    %dma_start3A_22 = arith.constant 0 : i32
    %dma_start3A_23 = tpu.memref_slice %arg6[%dma_start3A_20, %dma_start3A_21, %dma_start3A_22] : memref<7x8x2048xf32, #tpu.memory_space<vmem>> -> memref<1x8x2048xf32, #tpu.memory_space<vmem>>
    %dma_start3A_24 = tpu.memref_squeeze %dma_start3A_23 : memref<1x8x2048xf32, #tpu.memory_space<vmem>> -> memref<8x2048xf32, #tpu.memory_space<vmem>>
    %dma_start3A_25 = arith.constant 16 : i32
    %dma_start3A_26 = tpu.memref_slice %arg5[%dma_start3A_25] : memref<512xi32, #tpu.memory_space<vmem>> -> memref<8xi32, #tpu.memory_space<vmem>>
    %dma_start3A_27 = arith.constant 0 : i32
    %dma_start3A_28 = arith.constant 0 : i32
    %dma_start3A_29 = tpu.memref_slice %arg3[%dma_start3A_27, %dma_start3A_28] : memref<1000x2048xf32, #tpu.memory_space<hbm>> -> memref<1000x2048xf32, #tpu.memory_space<hbm>>
    tpu.enqueue_indirect_dma source(%dma_start3A_29 : memref<1000x2048xf32, #tpu.memory_space<hbm>>) target(%dma_start3A_24 : memref<8x2048xf32, #tpu.memory_space<vmem>>) offsets(%dma_start3A_26 : memref<8xi32, #tpu.memory_space<vmem>>) semaphore(%arg7 : memref<!tpu.dma_semaphore, #tpu.memory_space<semaphore_mem>>)
    %dma_start3A_30 = arith.constant 3 : i32
    %dma_start3A_31 = arith.constant 0 : i32
    %dma_start3A_32 = arith.constant 0 : i32
    %dma_start3A_33 = tpu.memref_slice %arg6[%dma_start3A_30, %dma_start3A_31, %dma_start3A_32] : memref<7x8x2048xf32, #tpu.memory_space<vmem>> -> memref<1x8x2048xf32, #tpu.memory_space<vmem>>
    %dma_start3A_34 = tpu.memref_squeeze %dma_start3A_33 : memref<1x8x2048xf32, #tpu.memory_space<vmem>> -> memref<8x2048xf32, #tpu.memory_space<vmem>>
    %dma_start3A_35 = arith.constant 24 : i32
    %dma_start3A_36 = tpu.memref_slice %arg5[%dma_start3A_35] : memref<512xi32, #tpu.memory_space<vmem>> -> memref<8xi32, #tpu.memory_space<vmem>>
    %dma_start3A_37 = arith.constant 0 : i32
    %dma_start3A_38 = arith.constant 0 : i32
    %dma_start3A_39 = tpu.memref_slice %arg3[%dma_start3A_37, %dma_start3A_38] : memref<1000x2048xf32, #tpu.memory_space<hbm>> -> memref<1000x2048xf32, #tpu.memory_space<hbm>>
    tpu.enqueue_indirect_dma source(%dma_start3A_39 : memref<1000x2048xf32, #tpu.memory_space<hbm>>) target(%dma_start3A_34 : memref<8x2048xf32, #tpu.memory_space<vmem>>) offsets(%dma_start3A_36 : memref<8xi32, #tpu.memory_space<vmem>>) semaphore(%arg7 : memref<!tpu.dma_semaphore, #tpu.memory_space<semaphore_mem>>)
    %dma_start3A_40 = arith.constant 4 : i32
    %dma_start3A_41 = arith.constant 0 : i32
    %dma_start3A_42 = arith.constant 0 : i32
    %dma_start3A_43 = tpu.memref_slice %arg6[%dma_start3A_40, %dma_start3A_41, %dma_start3A_42] : memref<7x8x2048xf32, #tpu.memory_space<vmem>> -> memref<1x8x2048xf32, #tpu.memory_space<vmem>>
    %dma_start3A_44 = tpu.memref_squeeze %dma_start3A_43 : memref<1x8x2048xf32, #tpu.memory_space<vmem>> -> memref<8x2048xf32, #tpu.memory_space<vmem>>
    %dma_start3A_45 = arith.constant 32 : i32
    %dma_start3A_46 = tpu.memref_slice %arg5[%dma_start3A_45] : memref<512xi32, #tpu.memory_space<vmem>> -> memref<8xi32, #tpu.memory_space<vmem>>
    %dma_start3A_47 = arith.constant 0 : i32
    %dma_start3A_48 = arith.constant 0 : i32
    %dma_start3A_49 = tpu.memref_slice %arg3[%dma_start3A_47, %dma_start3A_48] : memref<1000x2048xf32, #tpu.memory_space<hbm>> -> memref<1000x2048xf32, #tpu.memory_space<hbm>>
    tpu.enqueue_indirect_dma source(%dma_start3A_49 : memref<1000x2048xf32, #tpu.memory_space<hbm>>) target(%dma_start3A_44 : memref<8x2048xf32, #tpu.memory_space<vmem>>) offsets(%dma_start3A_46 : memref<8xi32, #tpu.memory_space<vmem>>) semaphore(%arg7 : memref<!tpu.dma_semaphore, #tpu.memory_space<semaphore_mem>>)
    %dma_start3A_50 = arith.constant 5 : i32
    %dma_start3A_51 = arith.constant 0 : i32
    %dma_start3A_52 = arith.constant 0 : i32
    %dma_start3A_53 = tpu.memref_slice %arg6[%dma_start3A_50, %dma_start3A_51, %dma_start3A_52] : memref<7x8x2048xf32, #tpu.memory_space<vmem>> -> memref<1x8x2048xf32, #tpu.memory_space<vmem>>
    %dma_start3A_54 = tpu.memref_squeeze %dma_start3A_53 : memref<1x8x2048xf32, #tpu.memory_space<vmem>> -> memref<8x2048xf32, #tpu.memory_space<vmem>>
    %dma_start3A_55 = arith.constant 40 : i32
    %dma_start3A_56 = tpu.memref_slice %arg5[%dma_start3A_55] : memref<512xi32, #tpu.memory_space<vmem>> -> memref<8xi32, #tpu.memory_space<vmem>>
    %dma_start3A_57 = arith.constant 0 : i32
    %dma_start3A_58 = arith.constant 0 : i32
    %dma_start3A_59 = tpu.memref_slice %arg3[%dma_start3A_57, %dma_start3A_58] : memref<1000x2048xf32, #tpu.memory_space<hbm>> -> memref<1000x2048xf32, #tpu.memory_space<hbm>>
    tpu.enqueue_indirect_dma source(%dma_start3A_59 : memref<1000x2048xf32, #tpu.memory_space<hbm>>) target(%dma_start3A_54 : memref<8x2048xf32, #tpu.memory_space<vmem>>) offsets(%dma_start3A_56 : memref<8xi32, #tpu.memory_space<vmem>>) semaphore(%arg7 : memref<!tpu.dma_semaphore, #tpu.memory_space<semaphore_mem>>)
    %dma_wait3A = arith.constant 0 : i32
    %dma_wait3A_60 = arith.constant 0 : i32
    %dma_wait3A_61 = arith.constant 0 : i32
    %dma_wait3A_62 = tpu.memref_slice %arg6[%dma_wait3A, %dma_wait3A_60, %dma_wait3A_61] : memref<7x8x2048xf32, #tpu.memory_space<vmem>> -> memref<1x8x2048xf32, #tpu.memory_space<vmem>>
    %dma_wait3A_63 = tpu.memref_squeeze %dma_wait3A_62 : memref<1x8x2048xf32, #tpu.memory_space<vmem>> -> memref<8x2048xf32, #tpu.memory_space<vmem>>
    %dma_wait3A_64 = arith.constant 0 : i32
    %dma_wait3A_65 = tpu.memref_slice %arg5[%dma_wait3A_64] : memref<512xi32, #tpu.memory_space<vmem>> -> memref<8xi32, #tpu.memory_space<vmem>>
    %dma_wait3A_66 = arith.constant 0 : i32
    %dma_wait3A_67 = arith.constant 0 : i32
    %dma_wait3A_68 = tpu.memref_slice %arg3[%dma_wait3A_66, %dma_wait3A_67] : memref<1000x2048xf32, #tpu.memory_space<hbm>> -> memref<1000x2048xf32, #tpu.memory_space<hbm>>
    tpu.wait_indirect_dma semaphore(%arg7 : memref<!tpu.dma_semaphore, #tpu.memory_space<semaphore_mem>>) src(%dma_wait3A_68 : memref<1000x2048xf32, #tpu.memory_space<hbm>>) dst(%dma_wait3A_63 : memref<8x2048xf32, #tpu.memory_space<vmem>>)
    %dma_start3A_69 = arith.constant 0 : i32
    %dma_start3A_70 = arith.constant 0 : i32
    %dma_start3A_71 = arith.constant 0 : i32
    %dma_start3A_72 = tpu.memref_slice %arg6[%dma_start3A_69, %dma_start3A_70, %dma_start3A_71] : memref<7x8x2048xf32, #tpu.memory_space<vmem>> -> memref<1x8x2048xf32, #tpu.memory_space<vmem>>
    %dma_start3A_73 = tpu.memref_squeeze %dma_start3A_72 : memref<1x8x2048xf32, #tpu.memory_space<vmem>> -> memref<8x2048xf32, #tpu.memory_space<vmem>>
    %dma_start3A_74 = arith.constant 0 : i32
    %dma_start3A_75 = arith.constant 0 : i32
    %dma_start3A_76 = tpu.memref_slice %arg4[%add3A, %dma_start3A_74, %dma_start3A_75] : memref<32x512x2048xf32, #tpu.memory_space<hbm>> -> memref<1x8x2048xf32, #tpu.memory_space<hbm>>
    %dma_start3A_77 = tpu.memref_squeeze %dma_start3A_76 : memref<1x8x2048xf32, #tpu.memory_space<hbm>> -> memref<8x2048xf32, #tpu.memory_space<hbm>>
    %dma_start3A_78 = arith.constant 0 : i32
    %dma_start3A_79 = arith.constant 0 : i32
    %dma_start3A_80 = tpu.memref_slice %arg4[%add3A, %dma_start3A_78, %dma_start3A_79] : memref<32x512x2048xf32, #tpu.memory_space<hbm>> -> memref<1x8x2048xf32, #tpu.memory_space<hbm>>
    %dma_start3A_81 = tpu.memref_squeeze %dma_start3A_80 : memref<1x8x2048xf32, #tpu.memory_space<hbm>> -> memref<8x2048xf32, #tpu.memory_space<hbm>>
    %dma_start3A_82 = arith.constant 0 : i32
    %dma_start3A_83 = arith.constant 0 : i32
    %dma_start3A_84 = tpu.memref_slice %arg6[%dma_start3A_69, %dma_start3A_82, %dma_start3A_83] : memref<7x8x2048xf32, #tpu.memory_space<vmem>> -> memref<1x8x2048xf32, #tpu.memory_space<vmem>>
    %dma_start3A_85 = tpu.memref_squeeze %dma_start3A_84 : memref<1x8x2048xf32, #tpu.memory_space<vmem>> -> memref<8x2048xf32, #tpu.memory_space<vmem>>
    tpu.enqueue_dma source(%dma_start3A_85 : memref<8x2048xf32, #tpu.memory_space<vmem>>) target(%dma_start3A_81 : memref<8x2048xf32, #tpu.memory_space<hbm>>) target_semaphore(%arg8 : memref<!tpu.dma_semaphore, #tpu.memory_space<semaphore_mem>>)
    %dma_start3A_86 = arith.constant 6 : i32
    %dma_start3A_87 = arith.constant 0 : i32
    %dma_start3A_88 = arith.constant 0 : i32
    %dma_start3A_89 = tpu.memref_slice %arg6[%dma_start3A_86, %dma_start3A_87, %dma_start3A_88] : memref<7x8x2048xf32, #tpu.memory_space<vmem>> -> memref<1x8x2048xf32, #tpu.memory_space<vmem>>
    %dma_start3A_90 = tpu.memref_squeeze %dma_start3A_89 : memref<1x8x2048xf32, #tpu.memory_space<vmem>> -> memref<8x2048xf32, #tpu.memory_space<vmem>>
    %dma_start3A_91 = arith.constant 48 : i32
    %dma_start3A_92 = tpu.memref_slice %arg5[%dma_start3A_91] : memref<512xi32, #tpu.memory_space<vmem>> -> memref<8xi32, #tpu.memory_space<vmem>>
    %dma_start3A_93 = arith.constant 0 : i32
    %dma_start3A_94 = arith.constant 0 : i32
    %dma_start3A_95 = tpu.memref_slice %arg3[%dma_start3A_93, %dma_start3A_94] : memref<1000x2048xf32, #tpu.memory_space<hbm>> -> memref<1000x2048xf32, #tpu.memory_space<hbm>>
    tpu.enqueue_indirect_dma source(%dma_start3A_95 : memref<1000x2048xf32, #tpu.memory_space<hbm>>) target(%dma_start3A_90 : memref<8x2048xf32, #tpu.memory_space<vmem>>) offsets(%dma_start3A_92 : memref<8xi32, #tpu.memory_space<vmem>>) semaphore(%arg7 : memref<!tpu.dma_semaphore, #tpu.memory_space<semaphore_mem>>)
    %scan3A = arith.constant 0 : i32
    %scan3A_96 = arith.constant 0 : i32
    %scan3A_97 = arith.constant 8 : i32
    %scan3A_98 = arith.addi %scan3A_96, %scan3A_97 : i32
    %scan3A_99 = arith.constant 1 : i32
    scf.for %scan3A_436 = %scan3A_96 to %scan3A_98 step %scan3A_99  : i32 {
      %mul3A_437 = arith.constant 7 : i32
      %mul3A_438 = arith.muli %scan3A_436, %mul3A_437 : i32
      %add3A_439 = arith.constant 0 : i32
      %add3A_440 = arith.addi %mul3A_438, %add3A_439 : i32
      %add3A_441 = arith.constant 1 : i32
      %add3A_442 = arith.addi %add3A_440, %add3A_441 : i32
      %dma_wait3A_443 = arith.constant 0 : i32
      %dma_wait3A_444 = arith.constant 0 : i32
      %dma_wait3A_445 = arith.constant 0 : i32
      %dma_wait3A_446 = tpu.memref_slice %arg6[%dma_wait3A_443, %dma_wait3A_444, %dma_wait3A_445] : memref<7x8x2048xf32, #tpu.memory_space<vmem>> -> memref<1x8x2048xf32, #tpu.memory_space<vmem>>
      %dma_wait3A_447 = tpu.memref_squeeze %dma_wait3A_446 : memref<1x8x2048xf32, #tpu.memory_space<vmem>> -> memref<8x2048xf32, #tpu.memory_space<vmem>>
      %dma_wait3A_448 = arith.constant 0 : i32
      %dma_wait3A_449 = tpu.memref_slice %arg5[%dma_wait3A_448] : memref<512xi32, #tpu.memory_space<vmem>> -> memref<8xi32, #tpu.memory_space<vmem>>
      %dma_wait3A_450 = arith.constant 0 : i32
      %dma_wait3A_451 = arith.constant 0 : i32
      %dma_wait3A_452 = tpu.memref_slice %arg3[%dma_wait3A_450, %dma_wait3A_451] : memref<1000x2048xf32, #tpu.memory_space<hbm>> -> memref<1000x2048xf32, #tpu.memory_space<hbm>>
      tpu.wait_indirect_dma semaphore(%arg7 : memref<!tpu.dma_semaphore, #tpu.memory_space<semaphore_mem>>) src(%dma_wait3A_452 : memref<1000x2048xf32, #tpu.memory_space<hbm>>) dst(%dma_wait3A_447 : memref<8x2048xf32, #tpu.memory_space<vmem>>)
      %mul3A_453 = arith.constant 8 : i32
      %mul3A_454 = arith.muli %add3A_442, %mul3A_453 : i32
      %dma_start3A_455 = arith.constant 1 : i32
      %dma_start3A_456 = arith.constant 0 : i32
      %dma_start3A_457 = arith.constant 0 : i32
      %dma_start3A_458 = tpu.memref_slice %arg6[%dma_start3A_455, %dma_start3A_456, %dma_start3A_457] : memref<7x8x2048xf32, #tpu.memory_space<vmem>> -> memref<1x8x2048xf32, #tpu.memory_space<vmem>>
      %dma_start3A_459 = tpu.memref_squeeze %dma_start3A_458 : memref<1x8x2048xf32, #tpu.memory_space<vmem>> -> memref<8x2048xf32, #tpu.memory_space<vmem>>
      %dma_start3A_460 = arith.constant 0 : i32
      %dma_start3A_461 = tpu.memref_slice %arg4[%add3A, %mul3A_454, %dma_start3A_460] : memref<32x512x2048xf32, #tpu.memory_space<hbm>> -> memref<1x8x2048xf32, #tpu.memory_space<hbm>>
      %dma_start3A_462 = tpu.memref_squeeze %dma_start3A_461 : memref<1x8x2048xf32, #tpu.memory_space<hbm>> -> memref<8x2048xf32, #tpu.memory_space<hbm>>
      %dma_start3A_463 = arith.constant 0 : i32
      %dma_start3A_464 = tpu.memref_slice %arg4[%add3A, %mul3A_454, %dma_start3A_463] : memref<32x512x2048xf32, #tpu.memory_space<hbm>> -> memref<1x8x2048xf32, #tpu.memory_space<hbm>>
      %dma_start3A_465 = tpu.memref_squeeze %dma_start3A_464 : memref<1x8x2048xf32, #tpu.memory_space<hbm>> -> memref<8x2048xf32, #tpu.memory_space<hbm>>
      %dma_start3A_466 = arith.constant 0 : i32
      %dma_start3A_467 = arith.constant 0 : i32
      %dma_start3A_468 = tpu.memref_slice %arg6[%dma_start3A_455, %dma_start3A_466, %dma_start3A_467] : memref<7x8x2048xf32, #tpu.memory_space<vmem>> -> memref<1x8x2048xf32, #tpu.memory_space<vmem>>
      %dma_start3A_469 = tpu.memref_squeeze %dma_start3A_468 : memref<1x8x2048xf32, #tpu.memory_space<vmem>> -> memref<8x2048xf32, #tpu.memory_space<vmem>>
      tpu.enqueue_dma source(%dma_start3A_469 : memref<8x2048xf32, #tpu.memory_space<vmem>>) target(%dma_start3A_465 : memref<8x2048xf32, #tpu.memory_space<hbm>>) target_semaphore(%arg9 : memref<!tpu.dma_semaphore, #tpu.memory_space<semaphore_mem>>)
      %dma_wait3A_470 = arith.constant 0 : i32
      %dma_wait3A_471 = arith.constant 0 : i32
      %dma_wait3A_472 = arith.constant 0 : i32
      %dma_wait3A_473 = tpu.memref_slice %arg6[%dma_wait3A_470, %dma_wait3A_471, %dma_wait3A_472] : memref<7x8x2048xf32, #tpu.memory_space<vmem>> -> memref<1x8x2048xf32, #tpu.memory_space<vmem>>
      %dma_wait3A_474 = tpu.memref_squeeze %dma_wait3A_473 : memref<1x8x2048xf32, #tpu.memory_space<vmem>> -> memref<8x2048xf32, #tpu.memory_space<vmem>>
      %dma_wait3A_475 = arith.constant 0 : i32
      %dma_wait3A_476 = arith.constant 0 : i32
      %dma_wait3A_477 = tpu.memref_slice %arg4[%add3A, %dma_wait3A_475, %dma_wait3A_476] : memref<32x512x2048xf32, #tpu.memory_space<hbm>> -> memref<1x8x2048xf32, #tpu.memory_space<hbm>>
      %dma_wait3A_478 = tpu.memref_squeeze %dma_wait3A_477 : memref<1x8x2048xf32, #tpu.memory_space<hbm>> -> memref<8x2048xf32, #tpu.memory_space<hbm>>
      %dma_wait3A_479 = arith.constant 0 : i32
      %dma_wait3A_480 = arith.constant 0 : i32
      %dma_wait3A_481 = tpu.memref_slice %arg4[%add3A, %dma_wait3A_479, %dma_wait3A_480] : memref<32x512x2048xf32, #tpu.memory_space<hbm>> -> memref<1x8x2048xf32, #tpu.memory_space<hbm>>
      %dma_wait3A_482 = tpu.memref_squeeze %dma_wait3A_481 : memref<1x8x2048xf32, #tpu.memory_space<hbm>> -> memref<8x2048xf32, #tpu.memory_space<hbm>>
      %dma_wait3A_483 = arith.constant 0 : i32
      %dma_wait3A_484 = arith.constant 0 : i32
      %dma_wait3A_485 = tpu.memref_slice %arg6[%dma_wait3A_470, %dma_wait3A_483, %dma_wait3A_484] : memref<7x8x2048xf32, #tpu.memory_space<vmem>> -> memref<1x8x2048xf32, #tpu.memory_space<vmem>>
      %dma_wait3A_486 = tpu.memref_squeeze %dma_wait3A_485 : memref<1x8x2048xf32, #tpu.memory_space<vmem>> -> memref<8x2048xf32, #tpu.memory_space<vmem>>
      tpu.wait_dma2 semaphore(%arg8 : memref<!tpu.dma_semaphore, #tpu.memory_space<semaphore_mem>>) src(%dma_wait3A_486 : memref<8x2048xf32, #tpu.memory_space<vmem>>) dst(%dma_wait3A_482 : memref<8x2048xf32, #tpu.memory_space<hbm>>)
      %add3A_487 = arith.constant 6 : i32
      %add3A_488 = arith.addi %add3A_442, %add3A_487 : i32
      %mul3A_489 = arith.constant 8 : i32
      %mul3A_490 = arith.muli %add3A_488, %mul3A_489 : i32
      %dma_start3A_491 = arith.constant 0 : i32
      %dma_start3A_492 = arith.constant 0 : i32
      %dma_start3A_493 = arith.constant 0 : i32
      %dma_start3A_494 = tpu.memref_slice %arg6[%dma_start3A_491, %dma_start3A_492, %dma_start3A_493] : memref<7x8x2048xf32, #tpu.memory_space<vmem>> -> memref<1x8x2048xf32, #tpu.memory_space<vmem>>
      %dma_start3A_495 = tpu.memref_squeeze %dma_start3A_494 : memref<1x8x2048xf32, #tpu.memory_space<vmem>> -> memref<8x2048xf32, #tpu.memory_space<vmem>>
      %dma_start3A_496 = tpu.memref_slice %arg5[%mul3A_490] : memref<512xi32, #tpu.memory_space<vmem>> -> memref<8xi32, #tpu.memory_space<vmem>>
      %dma_start3A_497 = arith.constant 0 : i32
      %dma_start3A_498 = arith.constant 0 : i32
      %dma_start3A_499 = tpu.memref_slice %arg3[%dma_start3A_497, %dma_start3A_498] : memref<1000x2048xf32, #tpu.memory_space<hbm>> -> memref<1000x2048xf32, #tpu.memory_space<hbm>>
      tpu.enqueue_indirect_dma source(%dma_start3A_499 : memref<1000x2048xf32, #tpu.memory_space<hbm>>) target(%dma_start3A_495 : memref<8x2048xf32, #tpu.memory_space<vmem>>) offsets(%dma_start3A_496 : memref<8xi32, #tpu.memory_space<vmem>>) semaphore(%arg7 : memref<!tpu.dma_semaphore, #tpu.memory_space<semaphore_mem>>)
      %mul3A_500 = arith.constant 7 : i32
      %mul3A_501 = arith.muli %scan3A_436, %mul3A_500 : i32
      %add3A_502 = arith.constant 1 : i32
      %add3A_503 = arith.addi %mul3A_501, %add3A_502 : i32
      %add3A_504 = arith.constant 1 : i32
      %add3A_505 = arith.addi %add3A_503, %add3A_504 : i32
      %dma_wait3A_506 = arith.constant 0 : i32
      %dma_wait3A_507 = arith.constant 0 : i32
      %dma_wait3A_508 = arith.constant 0 : i32
      %dma_wait3A_509 = tpu.memref_slice %arg6[%dma_wait3A_506, %dma_wait3A_507, %dma_wait3A_508] : memref<7x8x2048xf32, #tpu.memory_space<vmem>> -> memref<1x8x2048xf32, #tpu.memory_space<vmem>>
      %dma_wait3A_510 = tpu.memref_squeeze %dma_wait3A_509 : memref<1x8x2048xf32, #tpu.memory_space<vmem>> -> memref<8x2048xf32, #tpu.memory_space<vmem>>
      %dma_wait3A_511 = arith.constant 0 : i32
      %dma_wait3A_512 = tpu.memref_slice %arg5[%dma_wait3A_511] : memref<512xi32, #tpu.memory_space<vmem>> -> memref<8xi32, #tpu.memory_space<vmem>>
      %dma_wait3A_513 = arith.constant 0 : i32
      %dma_wait3A_514 = arith.constant 0 : i32
      %dma_wait3A_515 = tpu.memref_slice %arg3[%dma_wait3A_513, %dma_wait3A_514] : memref<1000x2048xf32, #tpu.memory_space<hbm>> -> memref<1000x2048xf32, #tpu.memory_space<hbm>>
      tpu.wait_indirect_dma semaphore(%arg7 : memref<!tpu.dma_semaphore, #tpu.memory_space<semaphore_mem>>) src(%dma_wait3A_515 : memref<1000x2048xf32, #tpu.memory_space<hbm>>) dst(%dma_wait3A_510 : memref<8x2048xf32, #tpu.memory_space<vmem>>)
      %mul3A_516 = arith.constant 8 : i32
      %mul3A_517 = arith.muli %add3A_505, %mul3A_516 : i32
      %dma_start3A_518 = arith.constant 2 : i32
      %dma_start3A_519 = arith.constant 0 : i32
      %dma_start3A_520 = arith.constant 0 : i32
      %dma_start3A_521 = tpu.memref_slice %arg6[%dma_start3A_518, %dma_start3A_519, %dma_start3A_520] : memref<7x8x2048xf32, #tpu.memory_space<vmem>> -> memref<1x8x2048xf32, #tpu.memory_space<vmem>>
      %dma_start3A_522 = tpu.memref_squeeze %dma_start3A_521 : memref<1x8x2048xf32, #tpu.memory_space<vmem>> -> memref<8x2048xf32, #tpu.memory_space<vmem>>
      %dma_start3A_523 = arith.constant 0 : i32
      %dma_start3A_524 = tpu.memref_slice %arg4[%add3A, %mul3A_517, %dma_start3A_523] : memref<32x512x2048xf32, #tpu.memory_space<hbm>> -> memref<1x8x2048xf32, #tpu.memory_space<hbm>>
      %dma_start3A_525 = tpu.memref_squeeze %dma_start3A_524 : memref<1x8x2048xf32, #tpu.memory_space<hbm>> -> memref<8x2048xf32, #tpu.memory_space<hbm>>
      %dma_start3A_526 = arith.constant 0 : i32
      %dma_start3A_527 = tpu.memref_slice %arg4[%add3A, %mul3A_517, %dma_start3A_526] : memref<32x512x2048xf32, #tpu.memory_space<hbm>> -> memref<1x8x2048xf32, #tpu.memory_space<hbm>>
      %dma_start3A_528 = tpu.memref_squeeze %dma_start3A_527 : memref<1x8x2048xf32, #tpu.memory_space<hbm>> -> memref<8x2048xf32, #tpu.memory_space<hbm>>
      %dma_start3A_529 = arith.constant 0 : i32
      %dma_start3A_530 = arith.constant 0 : i32
      %dma_start3A_531 = tpu.memref_slice %arg6[%dma_start3A_518, %dma_start3A_529, %dma_start3A_530] : memref<7x8x2048xf32, #tpu.memory_space<vmem>> -> memref<1x8x2048xf32, #tpu.memory_space<vmem>>
      %dma_start3A_532 = tpu.memref_squeeze %dma_start3A_531 : memref<1x8x2048xf32, #tpu.memory_space<vmem>> -> memref<8x2048xf32, #tpu.memory_space<vmem>>
      tpu.enqueue_dma source(%dma_start3A_532 : memref<8x2048xf32, #tpu.memory_space<vmem>>) target(%dma_start3A_528 : memref<8x2048xf32, #tpu.memory_space<hbm>>) target_semaphore(%arg10 : memref<!tpu.dma_semaphore, #tpu.memory_space<semaphore_mem>>)
      %dma_wait3A_533 = arith.constant 0 : i32
      %dma_wait3A_534 = arith.constant 0 : i32
      %dma_wait3A_535 = arith.constant 0 : i32
      %dma_wait3A_536 = tpu.memref_slice %arg6[%dma_wait3A_533, %dma_wait3A_534, %dma_wait3A_535] : memref<7x8x2048xf32, #tpu.memory_space<vmem>> -> memref<1x8x2048xf32, #tpu.memory_space<vmem>>
      %dma_wait3A_537 = tpu.memref_squeeze %dma_wait3A_536 : memref<1x8x2048xf32, #tpu.memory_space<vmem>> -> memref<8x2048xf32, #tpu.memory_space<vmem>>
      %dma_wait3A_538 = arith.constant 0 : i32
      %dma_wait3A_539 = arith.constant 0 : i32
      %dma_wait3A_540 = tpu.memref_slice %arg4[%add3A, %dma_wait3A_538, %dma_wait3A_539] : memref<32x512x2048xf32, #tpu.memory_space<hbm>> -> memref<1x8x2048xf32, #tpu.memory_space<hbm>>
      %dma_wait3A_541 = tpu.memref_squeeze %dma_wait3A_540 : memref<1x8x2048xf32, #tpu.memory_space<hbm>> -> memref<8x2048xf32, #tpu.memory_space<hbm>>
      %dma_wait3A_542 = arith.constant 0 : i32
      %dma_wait3A_543 = arith.constant 0 : i32
      %dma_wait3A_544 = tpu.memref_slice %arg4[%add3A, %dma_wait3A_542, %dma_wait3A_543] : memref<32x512x2048xf32, #tpu.memory_space<hbm>> -> memref<1x8x2048xf32, #tpu.memory_space<hbm>>
      %dma_wait3A_545 = tpu.memref_squeeze %dma_wait3A_544 : memref<1x8x2048xf32, #tpu.memory_space<hbm>> -> memref<8x2048xf32, #tpu.memory_space<hbm>>
      %dma_wait3A_546 = arith.constant 0 : i32
      %dma_wait3A_547 = arith.constant 0 : i32
      %dma_wait3A_548 = tpu.memref_slice %arg6[%dma_wait3A_533, %dma_wait3A_546, %dma_wait3A_547] : memref<7x8x2048xf32, #tpu.memory_space<vmem>> -> memref<1x8x2048xf32, #tpu.memory_space<vmem>>
      %dma_wait3A_549 = tpu.memref_squeeze %dma_wait3A_548 : memref<1x8x2048xf32, #tpu.memory_space<vmem>> -> memref<8x2048xf32, #tpu.memory_space<vmem>>
      tpu.wait_dma2 semaphore(%arg9 : memref<!tpu.dma_semaphore, #tpu.memory_space<semaphore_mem>>) src(%dma_wait3A_549 : memref<8x2048xf32, #tpu.memory_space<vmem>>) dst(%dma_wait3A_545 : memref<8x2048xf32, #tpu.memory_space<hbm>>)
      %add3A_550 = arith.constant 6 : i32
      %add3A_551 = arith.addi %add3A_505, %add3A_550 : i32
      %mul3A_552 = arith.constant 8 : i32
      %mul3A_553 = arith.muli %add3A_551, %mul3A_552 : i32
      %dma_start3A_554 = arith.constant 1 : i32
      %dma_start3A_555 = arith.constant 0 : i32
      %dma_start3A_556 = arith.constant 0 : i32
      %dma_start3A_557 = tpu.memref_slice %arg6[%dma_start3A_554, %dma_start3A_555, %dma_start3A_556] : memref<7x8x2048xf32, #tpu.memory_space<vmem>> -> memref<1x8x2048xf32, #tpu.memory_space<vmem>>
      %dma_start3A_558 = tpu.memref_squeeze %dma_start3A_557 : memref<1x8x2048xf32, #tpu.memory_space<vmem>> -> memref<8x2048xf32, #tpu.memory_space<vmem>>
      %dma_start3A_559 = tpu.memref_slice %arg5[%mul3A_553] : memref<512xi32, #tpu.memory_space<vmem>> -> memref<8xi32, #tpu.memory_space<vmem>>
      %dma_start3A_560 = arith.constant 0 : i32
      %dma_start3A_561 = arith.constant 0 : i32
      %dma_start3A_562 = tpu.memref_slice %arg3[%dma_start3A_560, %dma_start3A_561] : memref<1000x2048xf32, #tpu.memory_space<hbm>> -> memref<1000x2048xf32, #tpu.memory_space<hbm>>
      tpu.enqueue_indirect_dma source(%dma_start3A_562 : memref<1000x2048xf32, #tpu.memory_space<hbm>>) target(%dma_start3A_558 : memref<8x2048xf32, #tpu.memory_space<vmem>>) offsets(%dma_start3A_559 : memref<8xi32, #tpu.memory_space<vmem>>) semaphore(%arg7 : memref<!tpu.dma_semaphore, #tpu.memory_space<semaphore_mem>>)
      %mul3A_563 = arith.constant 7 : i32
      %mul3A_564 = arith.muli %scan3A_436, %mul3A_563 : i32
      %add3A_565 = arith.constant 2 : i32
      %add3A_566 = arith.addi %mul3A_564, %add3A_565 : i32
      %add3A_567 = arith.constant 1 : i32
      %add3A_568 = arith.addi %add3A_566, %add3A_567 : i32
      %dma_wait3A_569 = arith.constant 0 : i32
      %dma_wait3A_570 = arith.constant 0 : i32
      %dma_wait3A_571 = arith.constant 0 : i32
      %dma_wait3A_572 = tpu.memref_slice %arg6[%dma_wait3A_569, %dma_wait3A_570, %dma_wait3A_571] : memref<7x8x2048xf32, #tpu.memory_space<vmem>> -> memref<1x8x2048xf32, #tpu.memory_space<vmem>>
      %dma_wait3A_573 = tpu.memref_squeeze %dma_wait3A_572 : memref<1x8x2048xf32, #tpu.memory_space<vmem>> -> memref<8x2048xf32, #tpu.memory_space<vmem>>
      %dma_wait3A_574 = arith.constant 0 : i32
      %dma_wait3A_575 = tpu.memref_slice %arg5[%dma_wait3A_574] : memref<512xi32, #tpu.memory_space<vmem>> -> memref<8xi32, #tpu.memory_space<vmem>>
      %dma_wait3A_576 = arith.constant 0 : i32
      %dma_wait3A_577 = arith.constant 0 : i32
      %dma_wait3A_578 = tpu.memref_slice %arg3[%dma_wait3A_576, %dma_wait3A_577] : memref<1000x2048xf32, #tpu.memory_space<hbm>> -> memref<1000x2048xf32, #tpu.memory_space<hbm>>
      tpu.wait_indirect_dma semaphore(%arg7 : memref<!tpu.dma_semaphore, #tpu.memory_space<semaphore_mem>>) src(%dma_wait3A_578 : memref<1000x2048xf32, #tpu.memory_space<hbm>>) dst(%dma_wait3A_573 : memref<8x2048xf32, #tpu.memory_space<vmem>>)
      %mul3A_579 = arith.constant 8 : i32
      %mul3A_580 = arith.muli %add3A_568, %mul3A_579 : i32
      %dma_start3A_581 = arith.constant 3 : i32
      %dma_start3A_582 = arith.constant 0 : i32
      %dma_start3A_583 = arith.constant 0 : i32
      %dma_start3A_584 = tpu.memref_slice %arg6[%dma_start3A_581, %dma_start3A_582, %dma_start3A_583] : memref<7x8x2048xf32, #tpu.memory_space<vmem>> -> memref<1x8x2048xf32, #tpu.memory_space<vmem>>
      %dma_start3A_585 = tpu.memref_squeeze %dma_start3A_584 : memref<1x8x2048xf32, #tpu.memory_space<vmem>> -> memref<8x2048xf32, #tpu.memory_space<vmem>>
      %dma_start3A_586 = arith.constant 0 : i32
      %dma_start3A_587 = tpu.memref_slice %arg4[%add3A, %mul3A_580, %dma_start3A_586] : memref<32x512x2048xf32, #tpu.memory_space<hbm>> -> memref<1x8x2048xf32, #tpu.memory_space<hbm>>
      %dma_start3A_588 = tpu.memref_squeeze %dma_start3A_587 : memref<1x8x2048xf32, #tpu.memory_space<hbm>> -> memref<8x2048xf32, #tpu.memory_space<hbm>>
      %dma_start3A_589 = arith.constant 0 : i32
      %dma_start3A_590 = tpu.memref_slice %arg4[%add3A, %mul3A_580, %dma_start3A_589] : memref<32x512x2048xf32, #tpu.memory_space<hbm>> -> memref<1x8x2048xf32, #tpu.memory_space<hbm>>
      %dma_start3A_591 = tpu.memref_squeeze %dma_start3A_590 : memref<1x8x2048xf32, #tpu.memory_space<hbm>> -> memref<8x2048xf32, #tpu.memory_space<hbm>>
      %dma_start3A_592 = arith.constant 0 : i32
      %dma_start3A_593 = arith.constant 0 : i32
      %dma_start3A_594 = tpu.memref_slice %arg6[%dma_start3A_581, %dma_start3A_592, %dma_start3A_593] : memref<7x8x2048xf32, #tpu.memory_space<vmem>> -> memref<1x8x2048xf32, #tpu.memory_space<vmem>>
      %dma_start3A_595 = tpu.memref_squeeze %dma_start3A_594 : memref<1x8x2048xf32, #tpu.memory_space<vmem>> -> memref<8x2048xf32, #tpu.memory_space<vmem>>
      tpu.enqueue_dma source(%dma_start3A_595 : memref<8x2048xf32, #tpu.memory_space<vmem>>) target(%dma_start3A_591 : memref<8x2048xf32, #tpu.memory_space<hbm>>) target_semaphore(%arg11 : memref<!tpu.dma_semaphore, #tpu.memory_space<semaphore_mem>>)
      %dma_wait3A_596 = arith.constant 0 : i32
      %dma_wait3A_597 = arith.constant 0 : i32
      %dma_wait3A_598 = arith.constant 0 : i32
      %dma_wait3A_599 = tpu.memref_slice %arg6[%dma_wait3A_596, %dma_wait3A_597, %dma_wait3A_598] : memref<7x8x2048xf32, #tpu.memory_space<vmem>> -> memref<1x8x2048xf32, #tpu.memory_space<vmem>>
      %dma_wait3A_600 = tpu.memref_squeeze %dma_wait3A_599 : memref<1x8x2048xf32, #tpu.memory_space<vmem>> -> memref<8x2048xf32, #tpu.memory_space<vmem>>
      %dma_wait3A_601 = arith.constant 0 : i32
      %dma_wait3A_602 = arith.constant 0 : i32
      %dma_wait3A_603 = tpu.memref_slice %arg4[%add3A, %dma_wait3A_601, %dma_wait3A_602] : memref<32x512x2048xf32, #tpu.memory_space<hbm>> -> memref<1x8x2048xf32, #tpu.memory_space<hbm>>
      %dma_wait3A_604 = tpu.memref_squeeze %dma_wait3A_603 : memref<1x8x2048xf32, #tpu.memory_space<hbm>> -> memref<8x2048xf32, #tpu.memory_space<hbm>>
      %dma_wait3A_605 = arith.constant 0 : i32
      %dma_wait3A_606 = arith.constant 0 : i32
      %dma_wait3A_607 = tpu.memref_slice %arg4[%add3A, %dma_wait3A_605, %dma_wait3A_606] : memref<32x512x2048xf32, #tpu.memory_space<hbm>> -> memref<1x8x2048xf32, #tpu.memory_space<hbm>>
      %dma_wait3A_608 = tpu.memref_squeeze %dma_wait3A_607 : memref<1x8x2048xf32, #tpu.memory_space<hbm>> -> memref<8x2048xf32, #tpu.memory_space<hbm>>
      %dma_wait3A_609 = arith.constant 0 : i32
      %dma_wait3A_610 = arith.constant 0 : i32
      %dma_wait3A_611 = tpu.memref_slice %arg6[%dma_wait3A_596, %dma_wait3A_609, %dma_wait3A_610] : memref<7x8x2048xf32, #tpu.memory_space<vmem>> -> memref<1x8x2048xf32, #tpu.memory_space<vmem>>
      %dma_wait3A_612 = tpu.memref_squeeze %dma_wait3A_611 : memref<1x8x2048xf32, #tpu.memory_space<vmem>> -> memref<8x2048xf32, #tpu.memory_space<vmem>>
      tpu.wait_dma2 semaphore(%arg10 : memref<!tpu.dma_semaphore, #tpu.memory_space<semaphore_mem>>) src(%dma_wait3A_612 : memref<8x2048xf32, #tpu.memory_space<vmem>>) dst(%dma_wait3A_608 : memref<8x2048xf32, #tpu.memory_space<hbm>>)
      %add3A_613 = arith.constant 6 : i32
      %add3A_614 = arith.addi %add3A_568, %add3A_613 : i32
      %mul3A_615 = arith.constant 8 : i32
      %mul3A_616 = arith.muli %add3A_614, %mul3A_615 : i32
      %dma_start3A_617 = arith.constant 2 : i32
      %dma_start3A_618 = arith.constant 0 : i32
      %dma_start3A_619 = arith.constant 0 : i32
      %dma_start3A_620 = tpu.memref_slice %arg6[%dma_start3A_617, %dma_start3A_618, %dma_start3A_619] : memref<7x8x2048xf32, #tpu.memory_space<vmem>> -> memref<1x8x2048xf32, #tpu.memory_space<vmem>>
      %dma_start3A_621 = tpu.memref_squeeze %dma_start3A_620 : memref<1x8x2048xf32, #tpu.memory_space<vmem>> -> memref<8x2048xf32, #tpu.memory_space<vmem>>
      %dma_start3A_622 = tpu.memref_slice %arg5[%mul3A_616] : memref<512xi32, #tpu.memory_space<vmem>> -> memref<8xi32, #tpu.memory_space<vmem>>
      %dma_start3A_623 = arith.constant 0 : i32
      %dma_start3A_624 = arith.constant 0 : i32
      %dma_start3A_625 = tpu.memref_slice %arg3[%dma_start3A_623, %dma_start3A_624] : memref<1000x2048xf32, #tpu.memory_space<hbm>> -> memref<1000x2048xf32, #tpu.memory_space<hbm>>
      tpu.enqueue_indirect_dma source(%dma_start3A_625 : memref<1000x2048xf32, #tpu.memory_space<hbm>>) target(%dma_start3A_621 : memref<8x2048xf32, #tpu.memory_space<vmem>>) offsets(%dma_start3A_622 : memref<8xi32, #tpu.memory_space<vmem>>) semaphore(%arg7 : memref<!tpu.dma_semaphore, #tpu.memory_space<semaphore_mem>>)
      %mul3A_626 = arith.constant 7 : i32
      %mul3A_627 = arith.muli %scan3A_436, %mul3A_626 : i32
      %add3A_628 = arith.constant 3 : i32
      %add3A_629 = arith.addi %mul3A_627, %add3A_628 : i32
      %add3A_630 = arith.constant 1 : i32
      %add3A_631 = arith.addi %add3A_629, %add3A_630 : i32
      %dma_wait3A_632 = arith.constant 0 : i32
      %dma_wait3A_633 = arith.constant 0 : i32
      %dma_wait3A_634 = arith.constant 0 : i32
      %dma_wait3A_635 = tpu.memref_slice %arg6[%dma_wait3A_632, %dma_wait3A_633, %dma_wait3A_634] : memref<7x8x2048xf32, #tpu.memory_space<vmem>> -> memref<1x8x2048xf32, #tpu.memory_space<vmem>>
      %dma_wait3A_636 = tpu.memref_squeeze %dma_wait3A_635 : memref<1x8x2048xf32, #tpu.memory_space<vmem>> -> memref<8x2048xf32, #tpu.memory_space<vmem>>
      %dma_wait3A_637 = arith.constant 0 : i32
      %dma_wait3A_638 = tpu.memref_slice %arg5[%dma_wait3A_637] : memref<512xi32, #tpu.memory_space<vmem>> -> memref<8xi32, #tpu.memory_space<vmem>>
      %dma_wait3A_639 = arith.constant 0 : i32
      %dma_wait3A_640 = arith.constant 0 : i32
      %dma_wait3A_641 = tpu.memref_slice %arg3[%dma_wait3A_639, %dma_wait3A_640] : memref<1000x2048xf32, #tpu.memory_space<hbm>> -> memref<1000x2048xf32, #tpu.memory_space<hbm>>
      tpu.wait_indirect_dma semaphore(%arg7 : memref<!tpu.dma_semaphore, #tpu.memory_space<semaphore_mem>>) src(%dma_wait3A_641 : memref<1000x2048xf32, #tpu.memory_space<hbm>>) dst(%dma_wait3A_636 : memref<8x2048xf32, #tpu.memory_space<vmem>>)
      %mul3A_642 = arith.constant 8 : i32
      %mul3A_643 = arith.muli %add3A_631, %mul3A_642 : i32
      %dma_start3A_644 = arith.constant 4 : i32
      %dma_start3A_645 = arith.constant 0 : i32
      %dma_start3A_646 = arith.constant 0 : i32
      %dma_start3A_647 = tpu.memref_slice %arg6[%dma_start3A_644, %dma_start3A_645, %dma_start3A_646] : memref<7x8x2048xf32, #tpu.memory_space<vmem>> -> memref<1x8x2048xf32, #tpu.memory_space<vmem>>
      %dma_start3A_648 = tpu.memref_squeeze %dma_start3A_647 : memref<1x8x2048xf32, #tpu.memory_space<vmem>> -> memref<8x2048xf32, #tpu.memory_space<vmem>>
      %dma_start3A_649 = arith.constant 0 : i32
      %dma_start3A_650 = tpu.memref_slice %arg4[%add3A, %mul3A_643, %dma_start3A_649] : memref<32x512x2048xf32, #tpu.memory_space<hbm>> -> memref<1x8x2048xf32, #tpu.memory_space<hbm>>
      %dma_start3A_651 = tpu.memref_squeeze %dma_start3A_650 : memref<1x8x2048xf32, #tpu.memory_space<hbm>> -> memref<8x2048xf32, #tpu.memory_space<hbm>>
      %dma_start3A_652 = arith.constant 0 : i32
      %dma_start3A_653 = tpu.memref_slice %arg4[%add3A, %mul3A_643, %dma_start3A_652] : memref<32x512x2048xf32, #tpu.memory_space<hbm>> -> memref<1x8x2048xf32, #tpu.memory_space<hbm>>
      %dma_start3A_654 = tpu.memref_squeeze %dma_start3A_653 : memref<1x8x2048xf32, #tpu.memory_space<hbm>> -> memref<8x2048xf32, #tpu.memory_space<hbm>>
      %dma_start3A_655 = arith.constant 0 : i32
      %dma_start3A_656 = arith.constant 0 : i32
      %dma_start3A_657 = tpu.memref_slice %arg6[%dma_start3A_644, %dma_start3A_655, %dma_start3A_656] : memref<7x8x2048xf32, #tpu.memory_space<vmem>> -> memref<1x8x2048xf32, #tpu.memory_space<vmem>>
      %dma_start3A_658 = tpu.memref_squeeze %dma_start3A_657 : memref<1x8x2048xf32, #tpu.memory_space<vmem>> -> memref<8x2048xf32, #tpu.memory_space<vmem>>
      tpu.enqueue_dma source(%dma_start3A_658 : memref<8x2048xf32, #tpu.memory_space<vmem>>) target(%dma_start3A_654 : memref<8x2048xf32, #tpu.memory_space<hbm>>) target_semaphore(%arg12 : memref<!tpu.dma_semaphore, #tpu.memory_space<semaphore_mem>>)
      %dma_wait3A_659 = arith.constant 0 : i32
      %dma_wait3A_660 = arith.constant 0 : i32
      %dma_wait3A_661 = arith.constant 0 : i32
      %dma_wait3A_662 = tpu.memref_slice %arg6[%dma_wait3A_659, %dma_wait3A_660, %dma_wait3A_661] : memref<7x8x2048xf32, #tpu.memory_space<vmem>> -> memref<1x8x2048xf32, #tpu.memory_space<vmem>>
      %dma_wait3A_663 = tpu.memref_squeeze %dma_wait3A_662 : memref<1x8x2048xf32, #tpu.memory_space<vmem>> -> memref<8x2048xf32, #tpu.memory_space<vmem>>
      %dma_wait3A_664 = arith.constant 0 : i32
      %dma_wait3A_665 = arith.constant 0 : i32
      %dma_wait3A_666 = tpu.memref_slice %arg4[%add3A, %dma_wait3A_664, %dma_wait3A_665] : memref<32x512x2048xf32, #tpu.memory_space<hbm>> -> memref<1x8x2048xf32, #tpu.memory_space<hbm>>
      %dma_wait3A_667 = tpu.memref_squeeze %dma_wait3A_666 : memref<1x8x2048xf32, #tpu.memory_space<hbm>> -> memref<8x2048xf32, #tpu.memory_space<hbm>>
      %dma_wait3A_668 = arith.constant 0 : i32
      %dma_wait3A_669 = arith.constant 0 : i32
      %dma_wait3A_670 = tpu.memref_slice %arg4[%add3A, %dma_wait3A_668, %dma_wait3A_669] : memref<32x512x2048xf32, #tpu.memory_space<hbm>> -> memref<1x8x2048xf32, #tpu.memory_space<hbm>>
      %dma_wait3A_671 = tpu.memref_squeeze %dma_wait3A_670 : memref<1x8x2048xf32, #tpu.memory_space<hbm>> -> memref<8x2048xf32, #tpu.memory_space<hbm>>
      %dma_wait3A_672 = arith.constant 0 : i32
      %dma_wait3A_673 = arith.constant 0 : i32
      %dma_wait3A_674 = tpu.memref_slice %arg6[%dma_wait3A_659, %dma_wait3A_672, %dma_wait3A_673] : memref<7x8x2048xf32, #tpu.memory_space<vmem>> -> memref<1x8x2048xf32, #tpu.memory_space<vmem>>
      %dma_wait3A_675 = tpu.memref_squeeze %dma_wait3A_674 : memref<1x8x2048xf32, #tpu.memory_space<vmem>> -> memref<8x2048xf32, #tpu.memory_space<vmem>>
      tpu.wait_dma2 semaphore(%arg11 : memref<!tpu.dma_semaphore, #tpu.memory_space<semaphore_mem>>) src(%dma_wait3A_675 : memref<8x2048xf32, #tpu.memory_space<vmem>>) dst(%dma_wait3A_671 : memref<8x2048xf32, #tpu.memory_space<hbm>>)
      %add3A_676 = arith.constant 6 : i32
      %add3A_677 = arith.addi %add3A_631, %add3A_676 : i32
      %mul3A_678 = arith.constant 8 : i32
      %mul3A_679 = arith.muli %add3A_677, %mul3A_678 : i32
      %dma_start3A_680 = arith.constant 3 : i32
      %dma_start3A_681 = arith.constant 0 : i32
      %dma_start3A_682 = arith.constant 0 : i32
      %dma_start3A_683 = tpu.memref_slice %arg6[%dma_start3A_680, %dma_start3A_681, %dma_start3A_682] : memref<7x8x2048xf32, #tpu.memory_space<vmem>> -> memref<1x8x2048xf32, #tpu.memory_space<vmem>>
      %dma_start3A_684 = tpu.memref_squeeze %dma_start3A_683 : memref<1x8x2048xf32, #tpu.memory_space<vmem>> -> memref<8x2048xf32, #tpu.memory_space<vmem>>
      %dma_start3A_685 = tpu.memref_slice %arg5[%mul3A_679] : memref<512xi32, #tpu.memory_space<vmem>> -> memref<8xi32, #tpu.memory_space<vmem>>
      %dma_start3A_686 = arith.constant 0 : i32
      %dma_start3A_687 = arith.constant 0 : i32
      %dma_start3A_688 = tpu.memref_slice %arg3[%dma_start3A_686, %dma_start3A_687] : memref<1000x2048xf32, #tpu.memory_space<hbm>> -> memref<1000x2048xf32, #tpu.memory_space<hbm>>
      tpu.enqueue_indirect_dma source(%dma_start3A_688 : memref<1000x2048xf32, #tpu.memory_space<hbm>>) target(%dma_start3A_684 : memref<8x2048xf32, #tpu.memory_space<vmem>>) offsets(%dma_start3A_685 : memref<8xi32, #tpu.memory_space<vmem>>) semaphore(%arg7 : memref<!tpu.dma_semaphore, #tpu.memory_space<semaphore_mem>>)
      %mul3A_689 = arith.constant 7 : i32
      %mul3A_690 = arith.muli %scan3A_436, %mul3A_689 : i32
      %add3A_691 = arith.constant 4 : i32
      %add3A_692 = arith.addi %mul3A_690, %add3A_691 : i32
      %add3A_693 = arith.constant 1 : i32
      %add3A_694 = arith.addi %add3A_692, %add3A_693 : i32
      %dma_wait3A_695 = arith.constant 0 : i32
      %dma_wait3A_696 = arith.constant 0 : i32
      %dma_wait3A_697 = arith.constant 0 : i32
      %dma_wait3A_698 = tpu.memref_slice %arg6[%dma_wait3A_695, %dma_wait3A_696, %dma_wait3A_697] : memref<7x8x2048xf32, #tpu.memory_space<vmem>> -> memref<1x8x2048xf32, #tpu.memory_space<vmem>>
      %dma_wait3A_699 = tpu.memref_squeeze %dma_wait3A_698 : memref<1x8x2048xf32, #tpu.memory_space<vmem>> -> memref<8x2048xf32, #tpu.memory_space<vmem>>
      %dma_wait3A_700 = arith.constant 0 : i32
      %dma_wait3A_701 = tpu.memref_slice %arg5[%dma_wait3A_700] : memref<512xi32, #tpu.memory_space<vmem>> -> memref<8xi32, #tpu.memory_space<vmem>>
      %dma_wait3A_702 = arith.constant 0 : i32
      %dma_wait3A_703 = arith.constant 0 : i32
      %dma_wait3A_704 = tpu.memref_slice %arg3[%dma_wait3A_702, %dma_wait3A_703] : memref<1000x2048xf32, #tpu.memory_space<hbm>> -> memref<1000x2048xf32, #tpu.memory_space<hbm>>
      tpu.wait_indirect_dma semaphore(%arg7 : memref<!tpu.dma_semaphore, #tpu.memory_space<semaphore_mem>>) src(%dma_wait3A_704 : memref<1000x2048xf32, #tpu.memory_space<hbm>>) dst(%dma_wait3A_699 : memref<8x2048xf32, #tpu.memory_space<vmem>>)
      %mul3A_705 = arith.constant 8 : i32
      %mul3A_706 = arith.muli %add3A_694, %mul3A_705 : i32
      %dma_start3A_707 = arith.constant 5 : i32
      %dma_start3A_708 = arith.constant 0 : i32
      %dma_start3A_709 = arith.constant 0 : i32
      %dma_start3A_710 = tpu.memref_slice %arg6[%dma_start3A_707, %dma_start3A_708, %dma_start3A_709] : memref<7x8x2048xf32, #tpu.memory_space<vmem>> -> memref<1x8x2048xf32, #tpu.memory_space<vmem>>
      %dma_start3A_711 = tpu.memref_squeeze %dma_start3A_710 : memref<1x8x2048xf32, #tpu.memory_space<vmem>> -> memref<8x2048xf32, #tpu.memory_space<vmem>>
      %dma_start3A_712 = arith.constant 0 : i32
      %dma_start3A_713 = tpu.memref_slice %arg4[%add3A, %mul3A_706, %dma_start3A_712] : memref<32x512x2048xf32, #tpu.memory_space<hbm>> -> memref<1x8x2048xf32, #tpu.memory_space<hbm>>
      %dma_start3A_714 = tpu.memref_squeeze %dma_start3A_713 : memref<1x8x2048xf32, #tpu.memory_space<hbm>> -> memref<8x2048xf32, #tpu.memory_space<hbm>>
      %dma_start3A_715 = arith.constant 0 : i32
      %dma_start3A_716 = tpu.memref_slice %arg4[%add3A, %mul3A_706, %dma_start3A_715] : memref<32x512x2048xf32, #tpu.memory_space<hbm>> -> memref<1x8x2048xf32, #tpu.memory_space<hbm>>
      %dma_start3A_717 = tpu.memref_squeeze %dma_start3A_716 : memref<1x8x2048xf32, #tpu.memory_space<hbm>> -> memref<8x2048xf32, #tpu.memory_space<hbm>>
      %dma_start3A_718 = arith.constant 0 : i32
      %dma_start3A_719 = arith.constant 0 : i32
      %dma_start3A_720 = tpu.memref_slice %arg6[%dma_start3A_707, %dma_start3A_718, %dma_start3A_719] : memref<7x8x2048xf32, #tpu.memory_space<vmem>> -> memref<1x8x2048xf32, #tpu.memory_space<vmem>>
      %dma_start3A_721 = tpu.memref_squeeze %dma_start3A_720 : memref<1x8x2048xf32, #tpu.memory_space<vmem>> -> memref<8x2048xf32, #tpu.memory_space<vmem>>
      tpu.enqueue_dma source(%dma_start3A_721 : memref<8x2048xf32, #tpu.memory_space<vmem>>) target(%dma_start3A_717 : memref<8x2048xf32, #tpu.memory_space<hbm>>) target_semaphore(%arg13 : memref<!tpu.dma_semaphore, #tpu.memory_space<semaphore_mem>>)
      %dma_wait3A_722 = arith.constant 0 : i32
      %dma_wait3A_723 = arith.constant 0 : i32
      %dma_wait3A_724 = arith.constant 0 : i32
      %dma_wait3A_725 = tpu.memref_slice %arg6[%dma_wait3A_722, %dma_wait3A_723, %dma_wait3A_724] : memref<7x8x2048xf32, #tpu.memory_space<vmem>> -> memref<1x8x2048xf32, #tpu.memory_space<vmem>>
      %dma_wait3A_726 = tpu.memref_squeeze %dma_wait3A_725 : memref<1x8x2048xf32, #tpu.memory_space<vmem>> -> memref<8x2048xf32, #tpu.memory_space<vmem>>
      %dma_wait3A_727 = arith.constant 0 : i32
      %dma_wait3A_728 = arith.constant 0 : i32
      %dma_wait3A_729 = tpu.memref_slice %arg4[%add3A, %dma_wait3A_727, %dma_wait3A_728] : memref<32x512x2048xf32, #tpu.memory_space<hbm>> -> memref<1x8x2048xf32, #tpu.memory_space<hbm>>
      %dma_wait3A_730 = tpu.memref_squeeze %dma_wait3A_729 : memref<1x8x2048xf32, #tpu.memory_space<hbm>> -> memref<8x2048xf32, #tpu.memory_space<hbm>>
      %dma_wait3A_731 = arith.constant 0 : i32
      %dma_wait3A_732 = arith.constant 0 : i32
      %dma_wait3A_733 = tpu.memref_slice %arg4[%add3A, %dma_wait3A_731, %dma_wait3A_732] : memref<32x512x2048xf32, #tpu.memory_space<hbm>> -> memref<1x8x2048xf32, #tpu.memory_space<hbm>>
      %dma_wait3A_734 = tpu.memref_squeeze %dma_wait3A_733 : memref<1x8x2048xf32, #tpu.memory_space<hbm>> -> memref<8x2048xf32, #tpu.memory_space<hbm>>
      %dma_wait3A_735 = arith.constant 0 : i32
      %dma_wait3A_736 = arith.constant 0 : i32
      %dma_wait3A_737 = tpu.memref_slice %arg6[%dma_wait3A_722, %dma_wait3A_735, %dma_wait3A_736] : memref<7x8x2048xf32, #tpu.memory_space<vmem>> -> memref<1x8x2048xf32, #tpu.memory_space<vmem>>
      %dma_wait3A_738 = tpu.memref_squeeze %dma_wait3A_737 : memref<1x8x2048xf32, #tpu.memory_space<vmem>> -> memref<8x2048xf32, #tpu.memory_space<vmem>>
      tpu.wait_dma2 semaphore(%arg12 : memref<!tpu.dma_semaphore, #tpu.memory_space<semaphore_mem>>) src(%dma_wait3A_738 : memref<8x2048xf32, #tpu.memory_space<vmem>>) dst(%dma_wait3A_734 : memref<8x2048xf32, #tpu.memory_space<hbm>>)
      %add3A_739 = arith.constant 6 : i32
      %add3A_740 = arith.addi %add3A_694, %add3A_739 : i32
      %mul3A_741 = arith.constant 8 : i32
      %mul3A_742 = arith.muli %add3A_740, %mul3A_741 : i32
      %dma_start3A_743 = arith.constant 4 : i32
      %dma_start3A_744 = arith.constant 0 : i32
      %dma_start3A_745 = arith.constant 0 : i32
      %dma_start3A_746 = tpu.memref_slice %arg6[%dma_start3A_743, %dma_start3A_744, %dma_start3A_745] : memref<7x8x2048xf32, #tpu.memory_space<vmem>> -> memref<1x8x2048xf32, #tpu.memory_space<vmem>>
      %dma_start3A_747 = tpu.memref_squeeze %dma_start3A_746 : memref<1x8x2048xf32, #tpu.memory_space<vmem>> -> memref<8x2048xf32, #tpu.memory_space<vmem>>
      %dma_start3A_748 = tpu.memref_slice %arg5[%mul3A_742] : memref<512xi32, #tpu.memory_space<vmem>> -> memref<8xi32, #tpu.memory_space<vmem>>
      %dma_start3A_749 = arith.constant 0 : i32
      %dma_start3A_750 = arith.constant 0 : i32
      %dma_start3A_751 = tpu.memref_slice %arg3[%dma_start3A_749, %dma_start3A_750] : memref<1000x2048xf32, #tpu.memory_space<hbm>> -> memref<1000x2048xf32, #tpu.memory_space<hbm>>
      tpu.enqueue_indirect_dma source(%dma_start3A_751 : memref<1000x2048xf32, #tpu.memory_space<hbm>>) target(%dma_start3A_747 : memref<8x2048xf32, #tpu.memory_space<vmem>>) offsets(%dma_start3A_748 : memref<8xi32, #tpu.memory_space<vmem>>) semaphore(%arg7 : memref<!tpu.dma_semaphore, #tpu.memory_space<semaphore_mem>>)
      %mul3A_752 = arith.constant 7 : i32
      %mul3A_753 = arith.muli %scan3A_436, %mul3A_752 : i32
      %add3A_754 = arith.constant 5 : i32
      %add3A_755 = arith.addi %mul3A_753, %add3A_754 : i32
      %add3A_756 = arith.constant 1 : i32
      %add3A_757 = arith.addi %add3A_755, %add3A_756 : i32
      %dma_wait3A_758 = arith.constant 0 : i32
      %dma_wait3A_759 = arith.constant 0 : i32
      %dma_wait3A_760 = arith.constant 0 : i32
      %dma_wait3A_761 = tpu.memref_slice %arg6[%dma_wait3A_758, %dma_wait3A_759, %dma_wait3A_760] : memref<7x8x2048xf32, #tpu.memory_space<vmem>> -> memref<1x8x2048xf32, #tpu.memory_space<vmem>>
      %dma_wait3A_762 = tpu.memref_squeeze %dma_wait3A_761 : memref<1x8x2048xf32, #tpu.memory_space<vmem>> -> memref<8x2048xf32, #tpu.memory_space<vmem>>
      %dma_wait3A_763 = arith.constant 0 : i32
      %dma_wait3A_764 = tpu.memref_slice %arg5[%dma_wait3A_763] : memref<512xi32, #tpu.memory_space<vmem>> -> memref<8xi32, #tpu.memory_space<vmem>>
      %dma_wait3A_765 = arith.constant 0 : i32
      %dma_wait3A_766 = arith.constant 0 : i32
      %dma_wait3A_767 = tpu.memref_slice %arg3[%dma_wait3A_765, %dma_wait3A_766] : memref<1000x2048xf32, #tpu.memory_space<hbm>> -> memref<1000x2048xf32, #tpu.memory_space<hbm>>
      tpu.wait_indirect_dma semaphore(%arg7 : memref<!tpu.dma_semaphore, #tpu.memory_space<semaphore_mem>>) src(%dma_wait3A_767 : memref<1000x2048xf32, #tpu.memory_space<hbm>>) dst(%dma_wait3A_762 : memref<8x2048xf32, #tpu.memory_space<vmem>>)
      %mul3A_768 = arith.constant 8 : i32
      %mul3A_769 = arith.muli %add3A_757, %mul3A_768 : i32
      %dma_start3A_770 = arith.constant 6 : i32
      %dma_start3A_771 = arith.constant 0 : i32
      %dma_start3A_772 = arith.constant 0 : i32
      %dma_start3A_773 = tpu.memref_slice %arg6[%dma_start3A_770, %dma_start3A_771, %dma_start3A_772] : memref<7x8x2048xf32, #tpu.memory_space<vmem>> -> memref<1x8x2048xf32, #tpu.memory_space<vmem>>
      %dma_start3A_774 = tpu.memref_squeeze %dma_start3A_773 : memref<1x8x2048xf32, #tpu.memory_space<vmem>> -> memref<8x2048xf32, #tpu.memory_space<vmem>>
      %dma_start3A_775 = arith.constant 0 : i32
      %dma_start3A_776 = tpu.memref_slice %arg4[%add3A, %mul3A_769, %dma_start3A_775] : memref<32x512x2048xf32, #tpu.memory_space<hbm>> -> memref<1x8x2048xf32, #tpu.memory_space<hbm>>
      %dma_start3A_777 = tpu.memref_squeeze %dma_start3A_776 : memref<1x8x2048xf32, #tpu.memory_space<hbm>> -> memref<8x2048xf32, #tpu.memory_space<hbm>>
      %dma_start3A_778 = arith.constant 0 : i32
      %dma_start3A_779 = tpu.memref_slice %arg4[%add3A, %mul3A_769, %dma_start3A_778] : memref<32x512x2048xf32, #tpu.memory_space<hbm>> -> memref<1x8x2048xf32, #tpu.memory_space<hbm>>
      %dma_start3A_780 = tpu.memref_squeeze %dma_start3A_779 : memref<1x8x2048xf32, #tpu.memory_space<hbm>> -> memref<8x2048xf32, #tpu.memory_space<hbm>>
      %dma_start3A_781 = arith.constant 0 : i32
      %dma_start3A_782 = arith.constant 0 : i32
      %dma_start3A_783 = tpu.memref_slice %arg6[%dma_start3A_770, %dma_start3A_781, %dma_start3A_782] : memref<7x8x2048xf32, #tpu.memory_space<vmem>> -> memref<1x8x2048xf32, #tpu.memory_space<vmem>>
      %dma_start3A_784 = tpu.memref_squeeze %dma_start3A_783 : memref<1x8x2048xf32, #tpu.memory_space<vmem>> -> memref<8x2048xf32, #tpu.memory_space<vmem>>
      tpu.enqueue_dma source(%dma_start3A_784 : memref<8x2048xf32, #tpu.memory_space<vmem>>) target(%dma_start3A_780 : memref<8x2048xf32, #tpu.memory_space<hbm>>) target_semaphore(%arg14 : memref<!tpu.dma_semaphore, #tpu.memory_space<semaphore_mem>>)
      %dma_wait3A_785 = arith.constant 0 : i32
      %dma_wait3A_786 = arith.constant 0 : i32
      %dma_wait3A_787 = arith.constant 0 : i32
      %dma_wait3A_788 = tpu.memref_slice %arg6[%dma_wait3A_785, %dma_wait3A_786, %dma_wait3A_787] : memref<7x8x2048xf32, #tpu.memory_space<vmem>> -> memref<1x8x2048xf32, #tpu.memory_space<vmem>>
      %dma_wait3A_789 = tpu.memref_squeeze %dma_wait3A_788 : memref<1x8x2048xf32, #tpu.memory_space<vmem>> -> memref<8x2048xf32, #tpu.memory_space<vmem>>
      %dma_wait3A_790 = arith.constant 0 : i32
      %dma_wait3A_791 = arith.constant 0 : i32
      %dma_wait3A_792 = tpu.memref_slice %arg4[%add3A, %dma_wait3A_790, %dma_wait3A_791] : memref<32x512x2048xf32, #tpu.memory_space<hbm>> -> memref<1x8x2048xf32, #tpu.memory_space<hbm>>
      %dma_wait3A_793 = tpu.memref_squeeze %dma_wait3A_792 : memref<1x8x2048xf32, #tpu.memory_space<hbm>> -> memref<8x2048xf32, #tpu.memory_space<hbm>>
      %dma_wait3A_794 = arith.constant 0 : i32
      %dma_wait3A_795 = arith.constant 0 : i32
      %dma_wait3A_796 = tpu.memref_slice %arg4[%add3A, %dma_wait3A_794, %dma_wait3A_795] : memref<32x512x2048xf32, #tpu.memory_space<hbm>> -> memref<1x8x2048xf32, #tpu.memory_space<hbm>>
      %dma_wait3A_797 = tpu.memref_squeeze %dma_wait3A_796 : memref<1x8x2048xf32, #tpu.memory_space<hbm>> -> memref<8x2048xf32, #tpu.memory_space<hbm>>
      %dma_wait3A_798 = arith.constant 0 : i32
      %dma_wait3A_799 = arith.constant 0 : i32
      %dma_wait3A_800 = tpu.memref_slice %arg6[%dma_wait3A_785, %dma_wait3A_798, %dma_wait3A_799] : memref<7x8x2048xf32, #tpu.memory_space<vmem>> -> memref<1x8x2048xf32, #tpu.memory_space<vmem>>
      %dma_wait3A_801 = tpu.memref_squeeze %dma_wait3A_800 : memref<1x8x2048xf32, #tpu.memory_space<vmem>> -> memref<8x2048xf32, #tpu.memory_space<vmem>>
      tpu.wait_dma2 semaphore(%arg13 : memref<!tpu.dma_semaphore, #tpu.memory_space<semaphore_mem>>) src(%dma_wait3A_801 : memref<8x2048xf32, #tpu.memory_space<vmem>>) dst(%dma_wait3A_797 : memref<8x2048xf32, #tpu.memory_space<hbm>>)
      %add3A_802 = arith.constant 6 : i32
      %add3A_803 = arith.addi %add3A_757, %add3A_802 : i32
      %mul3A_804 = arith.constant 8 : i32
      %mul3A_805 = arith.muli %add3A_803, %mul3A_804 : i32
      %dma_start3A_806 = arith.constant 5 : i32
      %dma_start3A_807 = arith.constant 0 : i32
      %dma_start3A_808 = arith.constant 0 : i32
      %dma_start3A_809 = tpu.memref_slice %arg6[%dma_start3A_806, %dma_start3A_807, %dma_start3A_808] : memref<7x8x2048xf32, #tpu.memory_space<vmem>> -> memref<1x8x2048xf32, #tpu.memory_space<vmem>>
      %dma_start3A_810 = tpu.memref_squeeze %dma_start3A_809 : memref<1x8x2048xf32, #tpu.memory_space<vmem>> -> memref<8x2048xf32, #tpu.memory_space<vmem>>
      %dma_start3A_811 = tpu.memref_slice %arg5[%mul3A_805] : memref<512xi32, #tpu.memory_space<vmem>> -> memref<8xi32, #tpu.memory_space<vmem>>
      %dma_start3A_812 = arith.constant 0 : i32
      %dma_start3A_813 = arith.constant 0 : i32
      %dma_start3A_814 = tpu.memref_slice %arg3[%dma_start3A_812, %dma_start3A_813] : memref<1000x2048xf32, #tpu.memory_space<hbm>> -> memref<1000x2048xf32, #tpu.memory_space<hbm>>
      tpu.enqueue_indirect_dma source(%dma_start3A_814 : memref<1000x2048xf32, #tpu.memory_space<hbm>>) target(%dma_start3A_810 : memref<8x2048xf32, #tpu.memory_space<vmem>>) offsets(%dma_start3A_811 : memref<8xi32, #tpu.memory_space<vmem>>) semaphore(%arg7 : memref<!tpu.dma_semaphore, #tpu.memory_space<semaphore_mem>>)
      %mul3A_815 = arith.constant 7 : i32
      %mul3A_816 = arith.muli %scan3A_436, %mul3A_815 : i32
      %add3A_817 = arith.constant 6 : i32
      %add3A_818 = arith.addi %mul3A_816, %add3A_817 : i32
      %add3A_819 = arith.constant 1 : i32
      %add3A_820 = arith.addi %add3A_818, %add3A_819 : i32
      %dma_wait3A_821 = arith.constant 0 : i32
      %dma_wait3A_822 = arith.constant 0 : i32
      %dma_wait3A_823 = arith.constant 0 : i32
      %dma_wait3A_824 = tpu.memref_slice %arg6[%dma_wait3A_821, %dma_wait3A_822, %dma_wait3A_823] : memref<7x8x2048xf32, #tpu.memory_space<vmem>> -> memref<1x8x2048xf32, #tpu.memory_space<vmem>>
      %dma_wait3A_825 = tpu.memref_squeeze %dma_wait3A_824 : memref<1x8x2048xf32, #tpu.memory_space<vmem>> -> memref<8x2048xf32, #tpu.memory_space<vmem>>
      %dma_wait3A_826 = arith.constant 0 : i32
      %dma_wait3A_827 = tpu.memref_slice %arg5[%dma_wait3A_826] : memref<512xi32, #tpu.memory_space<vmem>> -> memref<8xi32, #tpu.memory_space<vmem>>
      %dma_wait3A_828 = arith.constant 0 : i32
      %dma_wait3A_829 = arith.constant 0 : i32
      %dma_wait3A_830 = tpu.memref_slice %arg3[%dma_wait3A_828, %dma_wait3A_829] : memref<1000x2048xf32, #tpu.memory_space<hbm>> -> memref<1000x2048xf32, #tpu.memory_space<hbm>>
      tpu.wait_indirect_dma semaphore(%arg7 : memref<!tpu.dma_semaphore, #tpu.memory_space<semaphore_mem>>) src(%dma_wait3A_830 : memref<1000x2048xf32, #tpu.memory_space<hbm>>) dst(%dma_wait3A_825 : memref<8x2048xf32, #tpu.memory_space<vmem>>)
      %mul3A_831 = arith.constant 8 : i32
      %mul3A_832 = arith.muli %add3A_820, %mul3A_831 : i32
      %dma_start3A_833 = arith.constant 0 : i32
      %dma_start3A_834 = arith.constant 0 : i32
      %dma_start3A_835 = arith.constant 0 : i32
      %dma_start3A_836 = tpu.memref_slice %arg6[%dma_start3A_833, %dma_start3A_834, %dma_start3A_835] : memref<7x8x2048xf32, #tpu.memory_space<vmem>> -> memref<1x8x2048xf32, #tpu.memory_space<vmem>>
      %dma_start3A_837 = tpu.memref_squeeze %dma_start3A_836 : memref<1x8x2048xf32, #tpu.memory_space<vmem>> -> memref<8x2048xf32, #tpu.memory_space<vmem>>
      %dma_start3A_838 = arith.constant 0 : i32
      %dma_start3A_839 = tpu.memref_slice %arg4[%add3A, %mul3A_832, %dma_start3A_838] : memref<32x512x2048xf32, #tpu.memory_space<hbm>> -> memref<1x8x2048xf32, #tpu.memory_space<hbm>>
      %dma_start3A_840 = tpu.memref_squeeze %dma_start3A_839 : memref<1x8x2048xf32, #tpu.memory_space<hbm>> -> memref<8x2048xf32, #tpu.memory_space<hbm>>
      %dma_start3A_841 = arith.constant 0 : i32
      %dma_start3A_842 = tpu.memref_slice %arg4[%add3A, %mul3A_832, %dma_start3A_841] : memref<32x512x2048xf32, #tpu.memory_space<hbm>> -> memref<1x8x2048xf32, #tpu.memory_space<hbm>>
      %dma_start3A_843 = tpu.memref_squeeze %dma_start3A_842 : memref<1x8x2048xf32, #tpu.memory_space<hbm>> -> memref<8x2048xf32, #tpu.memory_space<hbm>>
      %dma_start3A_844 = arith.constant 0 : i32
      %dma_start3A_845 = arith.constant 0 : i32
      %dma_start3A_846 = tpu.memref_slice %arg6[%dma_start3A_833, %dma_start3A_844, %dma_start3A_845] : memref<7x8x2048xf32, #tpu.memory_space<vmem>> -> memref<1x8x2048xf32, #tpu.memory_space<vmem>>
      %dma_start3A_847 = tpu.memref_squeeze %dma_start3A_846 : memref<1x8x2048xf32, #tpu.memory_space<vmem>> -> memref<8x2048xf32, #tpu.memory_space<vmem>>
      tpu.enqueue_dma source(%dma_start3A_847 : memref<8x2048xf32, #tpu.memory_space<vmem>>) target(%dma_start3A_843 : memref<8x2048xf32, #tpu.memory_space<hbm>>) target_semaphore(%arg8 : memref<!tpu.dma_semaphore, #tpu.memory_space<semaphore_mem>>)
      %dma_wait3A_848 = arith.constant 0 : i32
      %dma_wait3A_849 = arith.constant 0 : i32
      %dma_wait3A_850 = arith.constant 0 : i32
      %dma_wait3A_851 = tpu.memref_slice %arg6[%dma_wait3A_848, %dma_wait3A_849, %dma_wait3A_850] : memref<7x8x2048xf32, #tpu.memory_space<vmem>> -> memref<1x8x2048xf32, #tpu.memory_space<vmem>>
      %dma_wait3A_852 = tpu.memref_squeeze %dma_wait3A_851 : memref<1x8x2048xf32, #tpu.memory_space<vmem>> -> memref<8x2048xf32, #tpu.memory_space<vmem>>
      %dma_wait3A_853 = arith.constant 0 : i32
      %dma_wait3A_854 = arith.constant 0 : i32
      %dma_wait3A_855 = tpu.memref_slice %arg4[%add3A, %dma_wait3A_853, %dma_wait3A_854] : memref<32x512x2048xf32, #tpu.memory_space<hbm>> -> memref<1x8x2048xf32, #tpu.memory_space<hbm>>
      %dma_wait3A_856 = tpu.memref_squeeze %dma_wait3A_855 : memref<1x8x2048xf32, #tpu.memory_space<hbm>> -> memref<8x2048xf32, #tpu.memory_space<hbm>>
      %dma_wait3A_857 = arith.constant 0 : i32
      %dma_wait3A_858 = arith.constant 0 : i32
      %dma_wait3A_859 = tpu.memref_slice %arg4[%add3A, %dma_wait3A_857, %dma_wait3A_858] : memref<32x512x2048xf32, #tpu.memory_space<hbm>> -> memref<1x8x2048xf32, #tpu.memory_space<hbm>>
      %dma_wait3A_860 = tpu.memref_squeeze %dma_wait3A_859 : memref<1x8x2048xf32, #tpu.memory_space<hbm>> -> memref<8x2048xf32, #tpu.memory_space<hbm>>
      %dma_wait3A_861 = arith.constant 0 : i32
      %dma_wait3A_862 = arith.constant 0 : i32
      %dma_wait3A_863 = tpu.memref_slice %arg6[%dma_wait3A_848, %dma_wait3A_861, %dma_wait3A_862] : memref<7x8x2048xf32, #tpu.memory_space<vmem>> -> memref<1x8x2048xf32, #tpu.memory_space<vmem>>
      %dma_wait3A_864 = tpu.memref_squeeze %dma_wait3A_863 : memref<1x8x2048xf32, #tpu.memory_space<vmem>> -> memref<8x2048xf32, #tpu.memory_space<vmem>>
      tpu.wait_dma2 semaphore(%arg14 : memref<!tpu.dma_semaphore, #tpu.memory_space<semaphore_mem>>) src(%dma_wait3A_864 : memref<8x2048xf32, #tpu.memory_space<vmem>>) dst(%dma_wait3A_860 : memref<8x2048xf32, #tpu.memory_space<hbm>>)
      %add3A_865 = arith.constant 6 : i32
      %add3A_866 = arith.addi %add3A_820, %add3A_865 : i32
      %mul3A_867 = arith.constant 8 : i32
      %mul3A_868 = arith.muli %add3A_866, %mul3A_867 : i32
      %dma_start3A_869 = arith.constant 6 : i32
      %dma_start3A_870 = arith.constant 0 : i32
      %dma_start3A_871 = arith.constant 0 : i32
      %dma_start3A_872 = tpu.memref_slice %arg6[%dma_start3A_869, %dma_start3A_870, %dma_start3A_871] : memref<7x8x2048xf32, #tpu.memory_space<vmem>> -> memref<1x8x2048xf32, #tpu.memory_space<vmem>>
      %dma_start3A_873 = tpu.memref_squeeze %dma_start3A_872 : memref<1x8x2048xf32, #tpu.memory_space<vmem>> -> memref<8x2048xf32, #tpu.memory_space<vmem>>
      %dma_start3A_874 = tpu.memref_slice %arg5[%mul3A_868] : memref<512xi32, #tpu.memory_space<vmem>> -> memref<8xi32, #tpu.memory_space<vmem>>
      %dma_start3A_875 = arith.constant 0 : i32
      %dma_start3A_876 = arith.constant 0 : i32
      %dma_start3A_877 = tpu.memref_slice %arg3[%dma_start3A_875, %dma_start3A_876] : memref<1000x2048xf32, #tpu.memory_space<hbm>> -> memref<1000x2048xf32, #tpu.memory_space<hbm>>
      tpu.enqueue_indirect_dma source(%dma_start3A_877 : memref<1000x2048xf32, #tpu.memory_space<hbm>>) target(%dma_start3A_873 : memref<8x2048xf32, #tpu.memory_space<vmem>>) offsets(%dma_start3A_874 : memref<8xi32, #tpu.memory_space<vmem>>) semaphore(%arg7 : memref<!tpu.dma_semaphore, #tpu.memory_space<semaphore_mem>>)
    }
    %scan3A_100 = arith.constant 8 : i32
    %dma_wait3A_101 = arith.constant 0 : i32
    %dma_wait3A_102 = arith.constant 0 : i32
    %dma_wait3A_103 = arith.constant 0 : i32
    %dma_wait3A_104 = tpu.memref_slice %arg6[%dma_wait3A_101, %dma_wait3A_102, %dma_wait3A_103] : memref<7x8x2048xf32, #tpu.memory_space<vmem>> -> memref<1x8x2048xf32, #tpu.memory_space<vmem>>
    %dma_wait3A_105 = tpu.memref_squeeze %dma_wait3A_104 : memref<1x8x2048xf32, #tpu.memory_space<vmem>> -> memref<8x2048xf32, #tpu.memory_space<vmem>>
    %dma_wait3A_106 = arith.constant 0 : i32
    %dma_wait3A_107 = tpu.memref_slice %arg5[%dma_wait3A_106] : memref<512xi32, #tpu.memory_space<vmem>> -> memref<8xi32, #tpu.memory_space<vmem>>
    %dma_wait3A_108 = arith.constant 0 : i32
    %dma_wait3A_109 = arith.constant 0 : i32
    %dma_wait3A_110 = tpu.memref_slice %arg3[%dma_wait3A_108, %dma_wait3A_109] : memref<1000x2048xf32, #tpu.memory_space<hbm>> -> memref<1000x2048xf32, #tpu.memory_space<hbm>>
    tpu.wait_indirect_dma semaphore(%arg7 : memref<!tpu.dma_semaphore, #tpu.memory_space<semaphore_mem>>) src(%dma_wait3A_110 : memref<1000x2048xf32, #tpu.memory_space<hbm>>) dst(%dma_wait3A_105 : memref<8x2048xf32, #tpu.memory_space<vmem>>)
    %dma_start3A_111 = arith.constant 1 : i32
    %dma_start3A_112 = arith.constant 0 : i32
    %dma_start3A_113 = arith.constant 0 : i32
    %dma_start3A_114 = tpu.memref_slice %arg6[%dma_start3A_111, %dma_start3A_112, %dma_start3A_113] : memref<7x8x2048xf32, #tpu.memory_space<vmem>> -> memref<1x8x2048xf32, #tpu.memory_space<vmem>>
    %dma_start3A_115 = tpu.memref_squeeze %dma_start3A_114 : memref<1x8x2048xf32, #tpu.memory_space<vmem>> -> memref<8x2048xf32, #tpu.memory_space<vmem>>
    %dma_start3A_116 = arith.constant 456 : i32
    %dma_start3A_117 = arith.constant 0 : i32
    %dma_start3A_118 = tpu.memref_slice %arg4[%add3A, %dma_start3A_116, %dma_start3A_117] : memref<32x512x2048xf32, #tpu.memory_space<hbm>> -> memref<1x8x2048xf32, #tpu.memory_space<hbm>>
    %dma_start3A_119 = tpu.memref_squeeze %dma_start3A_118 : memref<1x8x2048xf32, #tpu.memory_space<hbm>> -> memref<8x2048xf32, #tpu.memory_space<hbm>>
    %dma_start3A_120 = arith.constant 456 : i32
    %dma_start3A_121 = arith.constant 0 : i32
    %dma_start3A_122 = tpu.memref_slice %arg4[%add3A, %dma_start3A_120, %dma_start3A_121] : memref<32x512x2048xf32, #tpu.memory_space<hbm>> -> memref<1x8x2048xf32, #tpu.memory_space<hbm>>
    %dma_start3A_123 = tpu.memref_squeeze %dma_start3A_122 : memref<1x8x2048xf32, #tpu.memory_space<hbm>> -> memref<8x2048xf32, #tpu.memory_space<hbm>>
    %dma_start3A_124 = arith.constant 0 : i32
    %dma_start3A_125 = arith.constant 0 : i32
    %dma_start3A_126 = tpu.memref_slice %arg6[%dma_start3A_111, %dma_start3A_124, %dma_start3A_125] : memref<7x8x2048xf32, #tpu.memory_space<vmem>> -> memref<1x8x2048xf32, #tpu.memory_space<vmem>>
    %dma_start3A_127 = tpu.memref_squeeze %dma_start3A_126 : memref<1x8x2048xf32, #tpu.memory_space<vmem>> -> memref<8x2048xf32, #tpu.memory_space<vmem>>
    tpu.enqueue_dma source(%dma_start3A_127 : memref<8x2048xf32, #tpu.memory_space<vmem>>) target(%dma_start3A_123 : memref<8x2048xf32, #tpu.memory_space<hbm>>) target_semaphore(%arg9 : memref<!tpu.dma_semaphore, #tpu.memory_space<semaphore_mem>>)
    %dma_wait3A_128 = arith.constant 0 : i32
    %dma_wait3A_129 = arith.constant 0 : i32
    %dma_wait3A_130 = arith.constant 0 : i32
    %dma_wait3A_131 = tpu.memref_slice %arg6[%dma_wait3A_128, %dma_wait3A_129, %dma_wait3A_130] : memref<7x8x2048xf32, #tpu.memory_space<vmem>> -> memref<1x8x2048xf32, #tpu.memory_space<vmem>>
    %dma_wait3A_132 = tpu.memref_squeeze %dma_wait3A_131 : memref<1x8x2048xf32, #tpu.memory_space<vmem>> -> memref<8x2048xf32, #tpu.memory_space<vmem>>
    %dma_wait3A_133 = arith.constant 0 : i32
    %dma_wait3A_134 = arith.constant 0 : i32
    %dma_wait3A_135 = tpu.memref_slice %arg4[%add3A, %dma_wait3A_133, %dma_wait3A_134] : memref<32x512x2048xf32, #tpu.memory_space<hbm>> -> memref<1x8x2048xf32, #tpu.memory_space<hbm>>
    %dma_wait3A_136 = tpu.memref_squeeze %dma_wait3A_135 : memref<1x8x2048xf32, #tpu.memory_space<hbm>> -> memref<8x2048xf32, #tpu.memory_space<hbm>>
    %dma_wait3A_137 = arith.constant 0 : i32
    %dma_wait3A_138 = arith.constant 0 : i32
    %dma_wait3A_139 = tpu.memref_slice %arg4[%add3A, %dma_wait3A_137, %dma_wait3A_138] : memref<32x512x2048xf32, #tpu.memory_space<hbm>> -> memref<1x8x2048xf32, #tpu.memory_space<hbm>>
    %dma_wait3A_140 = tpu.memref_squeeze %dma_wait3A_139 : memref<1x8x2048xf32, #tpu.memory_space<hbm>> -> memref<8x2048xf32, #tpu.memory_space<hbm>>
    %dma_wait3A_141 = arith.constant 0 : i32
    %dma_wait3A_142 = arith.constant 0 : i32
    %dma_wait3A_143 = tpu.memref_slice %arg6[%dma_wait3A_128, %dma_wait3A_141, %dma_wait3A_142] : memref<7x8x2048xf32, #tpu.memory_space<vmem>> -> memref<1x8x2048xf32, #tpu.memory_space<vmem>>
    %dma_wait3A_144 = tpu.memref_squeeze %dma_wait3A_143 : memref<1x8x2048xf32, #tpu.memory_space<vmem>> -> memref<8x2048xf32, #tpu.memory_space<vmem>>
    tpu.wait_dma2 semaphore(%arg8 : memref<!tpu.dma_semaphore, #tpu.memory_space<semaphore_mem>>) src(%dma_wait3A_144 : memref<8x2048xf32, #tpu.memory_space<vmem>>) dst(%dma_wait3A_140 : memref<8x2048xf32, #tpu.memory_space<hbm>>)
    %dma_start3A_145 = arith.constant 0 : i32
    %dma_start3A_146 = arith.constant 0 : i32
    %dma_start3A_147 = arith.constant 0 : i32
    %dma_start3A_148 = tpu.memref_slice %arg6[%dma_start3A_145, %dma_start3A_146, %dma_start3A_147] : memref<7x8x2048xf32, #tpu.memory_space<vmem>> -> memref<1x8x2048xf32, #tpu.memory_space<vmem>>
    %dma_start3A_149 = tpu.memref_squeeze %dma_start3A_148 : memref<1x8x2048xf32, #tpu.memory_space<vmem>> -> memref<8x2048xf32, #tpu.memory_space<vmem>>
    %dma_start3A_150 = arith.constant 504 : i32
    %dma_start3A_151 = tpu.memref_slice %arg5[%dma_start3A_150] : memref<512xi32, #tpu.memory_space<vmem>> -> memref<8xi32, #tpu.memory_space<vmem>>
    %dma_start3A_152 = arith.constant 0 : i32
    %dma_start3A_153 = arith.constant 0 : i32
    %dma_start3A_154 = tpu.memref_slice %arg3[%dma_start3A_152, %dma_start3A_153] : memref<1000x2048xf32, #tpu.memory_space<hbm>> -> memref<1000x2048xf32, #tpu.memory_space<hbm>>
    tpu.enqueue_indirect_dma source(%dma_start3A_154 : memref<1000x2048xf32, #tpu.memory_space<hbm>>) target(%dma_start3A_149 : memref<8x2048xf32, #tpu.memory_space<vmem>>) offsets(%dma_start3A_151 : memref<8xi32, #tpu.memory_space<vmem>>) semaphore(%arg7 : memref<!tpu.dma_semaphore, #tpu.memory_space<semaphore_mem>>)
    %dma_wait3A_155 = arith.constant 0 : i32
    %dma_wait3A_156 = arith.constant 0 : i32
    %dma_wait3A_157 = arith.constant 0 : i32
    %dma_wait3A_158 = tpu.memref_slice %arg6[%dma_wait3A_155, %dma_wait3A_156, %dma_wait3A_157] : memref<7x8x2048xf32, #tpu.memory_space<vmem>> -> memref<1x8x2048xf32, #tpu.memory_space<vmem>>
    %dma_wait3A_159 = tpu.memref_squeeze %dma_wait3A_158 : memref<1x8x2048xf32, #tpu.memory_space<vmem>> -> memref<8x2048xf32, #tpu.memory_space<vmem>>
    %dma_wait3A_160 = arith.constant 0 : i32
    %dma_wait3A_161 = tpu.memref_slice %arg5[%dma_wait3A_160] : memref<512xi32, #tpu.memory_space<vmem>> -> memref<8xi32, #tpu.memory_space<vmem>>
    %dma_wait3A_162 = arith.constant 0 : i32
    %dma_wait3A_163 = arith.constant 0 : i32
    %dma_wait3A_164 = tpu.memref_slice %arg3[%dma_wait3A_162, %dma_wait3A_163] : memref<1000x2048xf32, #tpu.memory_space<hbm>> -> memref<1000x2048xf32, #tpu.memory_space<hbm>>
    tpu.wait_indirect_dma semaphore(%arg7 : memref<!tpu.dma_semaphore, #tpu.memory_space<semaphore_mem>>) src(%dma_wait3A_164 : memref<1000x2048xf32, #tpu.memory_space<hbm>>) dst(%dma_wait3A_159 : memref<8x2048xf32, #tpu.memory_space<vmem>>)
    %dma_start3A_165 = arith.constant 2 : i32
    %dma_start3A_166 = arith.constant 0 : i32
    %dma_start3A_167 = arith.constant 0 : i32
    %dma_start3A_168 = tpu.memref_slice %arg6[%dma_start3A_165, %dma_start3A_166, %dma_start3A_167] : memref<7x8x2048xf32, #tpu.memory_space<vmem>> -> memref<1x8x2048xf32, #tpu.memory_space<vmem>>
    %dma_start3A_169 = tpu.memref_squeeze %dma_start3A_168 : memref<1x8x2048xf32, #tpu.memory_space<vmem>> -> memref<8x2048xf32, #tpu.memory_space<vmem>>
    %dma_start3A_170 = arith.constant 464 : i32
    %dma_start3A_171 = arith.constant 0 : i32
    %dma_start3A_172 = tpu.memref_slice %arg4[%add3A, %dma_start3A_170, %dma_start3A_171] : memref<32x512x2048xf32, #tpu.memory_space<hbm>> -> memref<1x8x2048xf32, #tpu.memory_space<hbm>>
    %dma_start3A_173 = tpu.memref_squeeze %dma_start3A_172 : memref<1x8x2048xf32, #tpu.memory_space<hbm>> -> memref<8x2048xf32, #tpu.memory_space<hbm>>
    %dma_start3A_174 = arith.constant 464 : i32
    %dma_start3A_175 = arith.constant 0 : i32
    %dma_start3A_176 = tpu.memref_slice %arg4[%add3A, %dma_start3A_174, %dma_start3A_175] : memref<32x512x2048xf32, #tpu.memory_space<hbm>> -> memref<1x8x2048xf32, #tpu.memory_space<hbm>>
    %dma_start3A_177 = tpu.memref_squeeze %dma_start3A_176 : memref<1x8x2048xf32, #tpu.memory_space<hbm>> -> memref<8x2048xf32, #tpu.memory_space<hbm>>
    %dma_start3A_178 = arith.constant 0 : i32
    %dma_start3A_179 = arith.constant 0 : i32
    %dma_start3A_180 = tpu.memref_slice %arg6[%dma_start3A_165, %dma_start3A_178, %dma_start3A_179] : memref<7x8x2048xf32, #tpu.memory_space<vmem>> -> memref<1x8x2048xf32, #tpu.memory_space<vmem>>
    %dma_start3A_181 = tpu.memref_squeeze %dma_start3A_180 : memref<1x8x2048xf32, #tpu.memory_space<vmem>> -> memref<8x2048xf32, #tpu.memory_space<vmem>>
    tpu.enqueue_dma source(%dma_start3A_181 : memref<8x2048xf32, #tpu.memory_space<vmem>>) target(%dma_start3A_177 : memref<8x2048xf32, #tpu.memory_space<hbm>>) target_semaphore(%arg10 : memref<!tpu.dma_semaphore, #tpu.memory_space<semaphore_mem>>)
    %dma_wait3A_182 = arith.constant 0 : i32
    %dma_wait3A_183 = arith.constant 0 : i32
    %dma_wait3A_184 = arith.constant 0 : i32
    %dma_wait3A_185 = tpu.memref_slice %arg6[%dma_wait3A_182, %dma_wait3A_183, %dma_wait3A_184] : memref<7x8x2048xf32, #tpu.memory_space<vmem>> -> memref<1x8x2048xf32, #tpu.memory_space<vmem>>
    %dma_wait3A_186 = tpu.memref_squeeze %dma_wait3A_185 : memref<1x8x2048xf32, #tpu.memory_space<vmem>> -> memref<8x2048xf32, #tpu.memory_space<vmem>>
    %dma_wait3A_187 = arith.constant 0 : i32
    %dma_wait3A_188 = arith.constant 0 : i32
    %dma_wait3A_189 = tpu.memref_slice %arg4[%add3A, %dma_wait3A_187, %dma_wait3A_188] : memref<32x512x2048xf32, #tpu.memory_space<hbm>> -> memref<1x8x2048xf32, #tpu.memory_space<hbm>>
    %dma_wait3A_190 = tpu.memref_squeeze %dma_wait3A_189 : memref<1x8x2048xf32, #tpu.memory_space<hbm>> -> memref<8x2048xf32, #tpu.memory_space<hbm>>
    %dma_wait3A_191 = arith.constant 0 : i32
    %dma_wait3A_192 = arith.constant 0 : i32
    %dma_wait3A_193 = tpu.memref_slice %arg4[%add3A, %dma_wait3A_191, %dma_wait3A_192] : memref<32x512x2048xf32, #tpu.memory_space<hbm>> -> memref<1x8x2048xf32, #tpu.memory_space<hbm>>
    %dma_wait3A_194 = tpu.memref_squeeze %dma_wait3A_193 : memref<1x8x2048xf32, #tpu.memory_space<hbm>> -> memref<8x2048xf32, #tpu.memory_space<hbm>>
    %dma_wait3A_195 = arith.constant 0 : i32
    %dma_wait3A_196 = arith.constant 0 : i32
    %dma_wait3A_197 = tpu.memref_slice %arg6[%dma_wait3A_182, %dma_wait3A_195, %dma_wait3A_196] : memref<7x8x2048xf32, #tpu.memory_space<vmem>> -> memref<1x8x2048xf32, #tpu.memory_space<vmem>>
    %dma_wait3A_198 = tpu.memref_squeeze %dma_wait3A_197 : memref<1x8x2048xf32, #tpu.memory_space<vmem>> -> memref<8x2048xf32, #tpu.memory_space<vmem>>
    tpu.wait_dma2 semaphore(%arg9 : memref<!tpu.dma_semaphore, #tpu.memory_space<semaphore_mem>>) src(%dma_wait3A_198 : memref<8x2048xf32, #tpu.memory_space<vmem>>) dst(%dma_wait3A_194 : memref<8x2048xf32, #tpu.memory_space<hbm>>)
    %dma_wait3A_199 = arith.constant 0 : i32
    %dma_wait3A_200 = arith.constant 0 : i32
    %dma_wait3A_201 = arith.constant 0 : i32
    %dma_wait3A_202 = tpu.memref_slice %arg6[%dma_wait3A_199, %dma_wait3A_200, %dma_wait3A_201] : memref<7x8x2048xf32, #tpu.memory_space<vmem>> -> memref<1x8x2048xf32, #tpu.memory_space<vmem>>
    %dma_wait3A_203 = tpu.memref_squeeze %dma_wait3A_202 : memref<1x8x2048xf32, #tpu.memory_space<vmem>> -> memref<8x2048xf32, #tpu.memory_space<vmem>>
    %dma_wait3A_204 = arith.constant 0 : i32
    %dma_wait3A_205 = tpu.memref_slice %arg5[%dma_wait3A_204] : memref<512xi32, #tpu.memory_space<vmem>> -> memref<8xi32, #tpu.memory_space<vmem>>
    %dma_wait3A_206 = arith.constant 0 : i32
    %dma_wait3A_207 = arith.constant 0 : i32
    %dma_wait3A_208 = tpu.memref_slice %arg3[%dma_wait3A_206, %dma_wait3A_207] : memref<1000x2048xf32, #tpu.memory_space<hbm>> -> memref<1000x2048xf32, #tpu.memory_space<hbm>>
    tpu.wait_indirect_dma semaphore(%arg7 : memref<!tpu.dma_semaphore, #tpu.memory_space<semaphore_mem>>) src(%dma_wait3A_208 : memref<1000x2048xf32, #tpu.memory_space<hbm>>) dst(%dma_wait3A_203 : memref<8x2048xf32, #tpu.memory_space<vmem>>)
    %dma_start3A_209 = arith.constant 3 : i32
    %dma_start3A_210 = arith.constant 0 : i32
    %dma_start3A_211 = arith.constant 0 : i32
    %dma_start3A_212 = tpu.memref_slice %arg6[%dma_start3A_209, %dma_start3A_210, %dma_start3A_211] : memref<7x8x2048xf32, #tpu.memory_space<vmem>> -> memref<1x8x2048xf32, #tpu.memory_space<vmem>>
    %dma_start3A_213 = tpu.memref_squeeze %dma_start3A_212 : memref<1x8x2048xf32, #tpu.memory_space<vmem>> -> memref<8x2048xf32, #tpu.memory_space<vmem>>
    %dma_start3A_214 = arith.constant 472 : i32
    %dma_start3A_215 = arith.constant 0 : i32
    %dma_start3A_216 = tpu.memref_slice %arg4[%add3A, %dma_start3A_214, %dma_start3A_215] : memref<32x512x2048xf32, #tpu.memory_space<hbm>> -> memref<1x8x2048xf32, #tpu.memory_space<hbm>>
    %dma_start3A_217 = tpu.memref_squeeze %dma_start3A_216 : memref<1x8x2048xf32, #tpu.memory_space<hbm>> -> memref<8x2048xf32, #tpu.memory_space<hbm>>
    %dma_start3A_218 = arith.constant 472 : i32
    %dma_start3A_219 = arith.constant 0 : i32
    %dma_start3A_220 = tpu.memref_slice %arg4[%add3A, %dma_start3A_218, %dma_start3A_219] : memref<32x512x2048xf32, #tpu.memory_space<hbm>> -> memref<1x8x2048xf32, #tpu.memory_space<hbm>>
    %dma_start3A_221 = tpu.memref_squeeze %dma_start3A_220 : memref<1x8x2048xf32, #tpu.memory_space<hbm>> -> memref<8x2048xf32, #tpu.memory_space<hbm>>
    %dma_start3A_222 = arith.constant 0 : i32
    %dma_start3A_223 = arith.constant 0 : i32
    %dma_start3A_224 = tpu.memref_slice %arg6[%dma_start3A_209, %dma_start3A_222, %dma_start3A_223] : memref<7x8x2048xf32, #tpu.memory_space<vmem>> -> memref<1x8x2048xf32, #tpu.memory_space<vmem>>
    %dma_start3A_225 = tpu.memref_squeeze %dma_start3A_224 : memref<1x8x2048xf32, #tpu.memory_space<vmem>> -> memref<8x2048xf32, #tpu.memory_space<vmem>>
    tpu.enqueue_dma source(%dma_start3A_225 : memref<8x2048xf32, #tpu.memory_space<vmem>>) target(%dma_start3A_221 : memref<8x2048xf32, #tpu.memory_space<hbm>>) target_semaphore(%arg11 : memref<!tpu.dma_semaphore, #tpu.memory_space<semaphore_mem>>)
    %dma_wait3A_226 = arith.constant 0 : i32
    %dma_wait3A_227 = arith.constant 0 : i32
    %dma_wait3A_228 = arith.constant 0 : i32
    %dma_wait3A_229 = tpu.memref_slice %arg6[%dma_wait3A_226, %dma_wait3A_227, %dma_wait3A_228] : memref<7x8x2048xf32, #tpu.memory_space<vmem>> -> memref<1x8x2048xf32, #tpu.memory_space<vmem>>
    %dma_wait3A_230 = tpu.memref_squeeze %dma_wait3A_229 : memref<1x8x2048xf32, #tpu.memory_space<vmem>> -> memref<8x2048xf32, #tpu.memory_space<vmem>>
    %dma_wait3A_231 = arith.constant 0 : i32
    %dma_wait3A_232 = arith.constant 0 : i32
    %dma_wait3A_233 = tpu.memref_slice %arg4[%add3A, %dma_wait3A_231, %dma_wait3A_232] : memref<32x512x2048xf32, #tpu.memory_space<hbm>> -> memref<1x8x2048xf32, #tpu.memory_space<hbm>>
    %dma_wait3A_234 = tpu.memref_squeeze %dma_wait3A_233 : memref<1x8x2048xf32, #tpu.memory_space<hbm>> -> memref<8x2048xf32, #tpu.memory_space<hbm>>
    %dma_wait3A_235 = arith.constant 0 : i32
    %dma_wait3A_236 = arith.constant 0 : i32
    %dma_wait3A_237 = tpu.memref_slice %arg4[%add3A, %dma_wait3A_235, %dma_wait3A_236] : memref<32x512x2048xf32, #tpu.memory_space<hbm>> -> memref<1x8x2048xf32, #tpu.memory_space<hbm>>
    %dma_wait3A_238 = tpu.memref_squeeze %dma_wait3A_237 : memref<1x8x2048xf32, #tpu.memory_space<hbm>> -> memref<8x2048xf32, #tpu.memory_space<hbm>>
    %dma_wait3A_239 = arith.constant 0 : i32
    %dma_wait3A_240 = arith.constant 0 : i32
    %dma_wait3A_241 = tpu.memref_slice %arg6[%dma_wait3A_226, %dma_wait3A_239, %dma_wait3A_240] : memref<7x8x2048xf32, #tpu.memory_space<vmem>> -> memref<1x8x2048xf32, #tpu.memory_space<vmem>>
    %dma_wait3A_242 = tpu.memref_squeeze %dma_wait3A_241 : memref<1x8x2048xf32, #tpu.memory_space<vmem>> -> memref<8x2048xf32, #tpu.memory_space<vmem>>
    tpu.wait_dma2 semaphore(%arg10 : memref<!tpu.dma_semaphore, #tpu.memory_space<semaphore_mem>>) src(%dma_wait3A_242 : memref<8x2048xf32, #tpu.memory_space<vmem>>) dst(%dma_wait3A_238 : memref<8x2048xf32, #tpu.memory_space<hbm>>)
    %dma_wait3A_243 = arith.constant 0 : i32
    %dma_wait3A_244 = arith.constant 0 : i32
    %dma_wait3A_245 = arith.constant 0 : i32
    %dma_wait3A_246 = tpu.memref_slice %arg6[%dma_wait3A_243, %dma_wait3A_244, %dma_wait3A_245] : memref<7x8x2048xf32, #tpu.memory_space<vmem>> -> memref<1x8x2048xf32, #tpu.memory_space<vmem>>
    %dma_wait3A_247 = tpu.memref_squeeze %dma_wait3A_246 : memref<1x8x2048xf32, #tpu.memory_space<vmem>> -> memref<8x2048xf32, #tpu.memory_space<vmem>>
    %dma_wait3A_248 = arith.constant 0 : i32
    %dma_wait3A_249 = tpu.memref_slice %arg5[%dma_wait3A_248] : memref<512xi32, #tpu.memory_space<vmem>> -> memref<8xi32, #tpu.memory_space<vmem>>
    %dma_wait3A_250 = arith.constant 0 : i32
    %dma_wait3A_251 = arith.constant 0 : i32
    %dma_wait3A_252 = tpu.memref_slice %arg3[%dma_wait3A_250, %dma_wait3A_251] : memref<1000x2048xf32, #tpu.memory_space<hbm>> -> memref<1000x2048xf32, #tpu.memory_space<hbm>>
    tpu.wait_indirect_dma semaphore(%arg7 : memref<!tpu.dma_semaphore, #tpu.memory_space<semaphore_mem>>) src(%dma_wait3A_252 : memref<1000x2048xf32, #tpu.memory_space<hbm>>) dst(%dma_wait3A_247 : memref<8x2048xf32, #tpu.memory_space<vmem>>)
    %dma_start3A_253 = arith.constant 4 : i32
    %dma_start3A_254 = arith.constant 0 : i32
    %dma_start3A_255 = arith.constant 0 : i32
    %dma_start3A_256 = tpu.memref_slice %arg6[%dma_start3A_253, %dma_start3A_254, %dma_start3A_255] : memref<7x8x2048xf32, #tpu.memory_space<vmem>> -> memref<1x8x2048xf32, #tpu.memory_space<vmem>>
    %dma_start3A_257 = tpu.memref_squeeze %dma_start3A_256 : memref<1x8x2048xf32, #tpu.memory_space<vmem>> -> memref<8x2048xf32, #tpu.memory_space<vmem>>
    %dma_start3A_258 = arith.constant 480 : i32
    %dma_start3A_259 = arith.constant 0 : i32
    %dma_start3A_260 = tpu.memref_slice %arg4[%add3A, %dma_start3A_258, %dma_start3A_259] : memref<32x512x2048xf32, #tpu.memory_space<hbm>> -> memref<1x8x2048xf32, #tpu.memory_space<hbm>>
    %dma_start3A_261 = tpu.memref_squeeze %dma_start3A_260 : memref<1x8x2048xf32, #tpu.memory_space<hbm>> -> memref<8x2048xf32, #tpu.memory_space<hbm>>
    %dma_start3A_262 = arith.constant 480 : i32
    %dma_start3A_263 = arith.constant 0 : i32
    %dma_start3A_264 = tpu.memref_slice %arg4[%add3A, %dma_start3A_262, %dma_start3A_263] : memref<32x512x2048xf32, #tpu.memory_space<hbm>> -> memref<1x8x2048xf32, #tpu.memory_space<hbm>>
    %dma_start3A_265 = tpu.memref_squeeze %dma_start3A_264 : memref<1x8x2048xf32, #tpu.memory_space<hbm>> -> memref<8x2048xf32, #tpu.memory_space<hbm>>
    %dma_start3A_266 = arith.constant 0 : i32
    %dma_start3A_267 = arith.constant 0 : i32
    %dma_start3A_268 = tpu.memref_slice %arg6[%dma_start3A_253, %dma_start3A_266, %dma_start3A_267] : memref<7x8x2048xf32, #tpu.memory_space<vmem>> -> memref<1x8x2048xf32, #tpu.memory_space<vmem>>
    %dma_start3A_269 = tpu.memref_squeeze %dma_start3A_268 : memref<1x8x2048xf32, #tpu.memory_space<vmem>> -> memref<8x2048xf32, #tpu.memory_space<vmem>>
    tpu.enqueue_dma source(%dma_start3A_269 : memref<8x2048xf32, #tpu.memory_space<vmem>>) target(%dma_start3A_265 : memref<8x2048xf32, #tpu.memory_space<hbm>>) target_semaphore(%arg12 : memref<!tpu.dma_semaphore, #tpu.memory_space<semaphore_mem>>)
    %dma_wait3A_270 = arith.constant 0 : i32
    %dma_wait3A_271 = arith.constant 0 : i32
    %dma_wait3A_272 = arith.constant 0 : i32
    %dma_wait3A_273 = tpu.memref_slice %arg6[%dma_wait3A_270, %dma_wait3A_271, %dma_wait3A_272] : memref<7x8x2048xf32, #tpu.memory_space<vmem>> -> memref<1x8x2048xf32, #tpu.memory_space<vmem>>
    %dma_wait3A_274 = tpu.memref_squeeze %dma_wait3A_273 : memref<1x8x2048xf32, #tpu.memory_space<vmem>> -> memref<8x2048xf32, #tpu.memory_space<vmem>>
    %dma_wait3A_275 = arith.constant 0 : i32
    %dma_wait3A_276 = arith.constant 0 : i32
    %dma_wait3A_277 = tpu.memref_slice %arg4[%add3A, %dma_wait3A_275, %dma_wait3A_276] : memref<32x512x2048xf32, #tpu.memory_space<hbm>> -> memref<1x8x2048xf32, #tpu.memory_space<hbm>>
    %dma_wait3A_278 = tpu.memref_squeeze %dma_wait3A_277 : memref<1x8x2048xf32, #tpu.memory_space<hbm>> -> memref<8x2048xf32, #tpu.memory_space<hbm>>
    %dma_wait3A_279 = arith.constant 0 : i32
    %dma_wait3A_280 = arith.constant 0 : i32
    %dma_wait3A_281 = tpu.memref_slice %arg4[%add3A, %dma_wait3A_279, %dma_wait3A_280] : memref<32x512x2048xf32, #tpu.memory_space<hbm>> -> memref<1x8x2048xf32, #tpu.memory_space<hbm>>
    %dma_wait3A_282 = tpu.memref_squeeze %dma_wait3A_281 : memref<1x8x2048xf32, #tpu.memory_space<hbm>> -> memref<8x2048xf32, #tpu.memory_space<hbm>>
    %dma_wait3A_283 = arith.constant 0 : i32
    %dma_wait3A_284 = arith.constant 0 : i32
    %dma_wait3A_285 = tpu.memref_slice %arg6[%dma_wait3A_270, %dma_wait3A_283, %dma_wait3A_284] : memref<7x8x2048xf32, #tpu.memory_space<vmem>> -> memref<1x8x2048xf32, #tpu.memory_space<vmem>>
    %dma_wait3A_286 = tpu.memref_squeeze %dma_wait3A_285 : memref<1x8x2048xf32, #tpu.memory_space<vmem>> -> memref<8x2048xf32, #tpu.memory_space<vmem>>
    tpu.wait_dma2 semaphore(%arg11 : memref<!tpu.dma_semaphore, #tpu.memory_space<semaphore_mem>>) src(%dma_wait3A_286 : memref<8x2048xf32, #tpu.memory_space<vmem>>) dst(%dma_wait3A_282 : memref<8x2048xf32, #tpu.memory_space<hbm>>)
    %dma_wait3A_287 = arith.constant 0 : i32
    %dma_wait3A_288 = arith.constant 0 : i32
    %dma_wait3A_289 = arith.constant 0 : i32
    %dma_wait3A_290 = tpu.memref_slice %arg6[%dma_wait3A_287, %dma_wait3A_288, %dma_wait3A_289] : memref<7x8x2048xf32, #tpu.memory_space<vmem>> -> memref<1x8x2048xf32, #tpu.memory_space<vmem>>
    %dma_wait3A_291 = tpu.memref_squeeze %dma_wait3A_290 : memref<1x8x2048xf32, #tpu.memory_space<vmem>> -> memref<8x2048xf32, #tpu.memory_space<vmem>>
    %dma_wait3A_292 = arith.constant 0 : i32
    %dma_wait3A_293 = tpu.memref_slice %arg5[%dma_wait3A_292] : memref<512xi32, #tpu.memory_space<vmem>> -> memref<8xi32, #tpu.memory_space<vmem>>
    %dma_wait3A_294 = arith.constant 0 : i32
    %dma_wait3A_295 = arith.constant 0 : i32
    %dma_wait3A_296 = tpu.memref_slice %arg3[%dma_wait3A_294, %dma_wait3A_295] : memref<1000x2048xf32, #tpu.memory_space<hbm>> -> memref<1000x2048xf32, #tpu.memory_space<hbm>>
    tpu.wait_indirect_dma semaphore(%arg7 : memref<!tpu.dma_semaphore, #tpu.memory_space<semaphore_mem>>) src(%dma_wait3A_296 : memref<1000x2048xf32, #tpu.memory_space<hbm>>) dst(%dma_wait3A_291 : memref<8x2048xf32, #tpu.memory_space<vmem>>)
    %dma_start3A_297 = arith.constant 5 : i32
    %dma_start3A_298 = arith.constant 0 : i32
    %dma_start3A_299 = arith.constant 0 : i32
    %dma_start3A_300 = tpu.memref_slice %arg6[%dma_start3A_297, %dma_start3A_298, %dma_start3A_299] : memref<7x8x2048xf32, #tpu.memory_space<vmem>> -> memref<1x8x2048xf32, #tpu.memory_space<vmem>>
    %dma_start3A_301 = tpu.memref_squeeze %dma_start3A_300 : memref<1x8x2048xf32, #tpu.memory_space<vmem>> -> memref<8x2048xf32, #tpu.memory_space<vmem>>
    %dma_start3A_302 = arith.constant 488 : i32
    %dma_start3A_303 = arith.constant 0 : i32
    %dma_start3A_304 = tpu.memref_slice %arg4[%add3A, %dma_start3A_302, %dma_start3A_303] : memref<32x512x2048xf32, #tpu.memory_space<hbm>> -> memref<1x8x2048xf32, #tpu.memory_space<hbm>>
    %dma_start3A_305 = tpu.memref_squeeze %dma_start3A_304 : memref<1x8x2048xf32, #tpu.memory_space<hbm>> -> memref<8x2048xf32, #tpu.memory_space<hbm>>
    %dma_start3A_306 = arith.constant 488 : i32
    %dma_start3A_307 = arith.constant 0 : i32
    %dma_start3A_308 = tpu.memref_slice %arg4[%add3A, %dma_start3A_306, %dma_start3A_307] : memref<32x512x2048xf32, #tpu.memory_space<hbm>> -> memref<1x8x2048xf32, #tpu.memory_space<hbm>>
    %dma_start3A_309 = tpu.memref_squeeze %dma_start3A_308 : memref<1x8x2048xf32, #tpu.memory_space<hbm>> -> memref<8x2048xf32, #tpu.memory_space<hbm>>
    %dma_start3A_310 = arith.constant 0 : i32
    %dma_start3A_311 = arith.constant 0 : i32
    %dma_start3A_312 = tpu.memref_slice %arg6[%dma_start3A_297, %dma_start3A_310, %dma_start3A_311] : memref<7x8x2048xf32, #tpu.memory_space<vmem>> -> memref<1x8x2048xf32, #tpu.memory_space<vmem>>
    %dma_start3A_313 = tpu.memref_squeeze %dma_start3A_312 : memref<1x8x2048xf32, #tpu.memory_space<vmem>> -> memref<8x2048xf32, #tpu.memory_space<vmem>>
    tpu.enqueue_dma source(%dma_start3A_313 : memref<8x2048xf32, #tpu.memory_space<vmem>>) target(%dma_start3A_309 : memref<8x2048xf32, #tpu.memory_space<hbm>>) target_semaphore(%arg13 : memref<!tpu.dma_semaphore, #tpu.memory_space<semaphore_mem>>)
    %dma_wait3A_314 = arith.constant 0 : i32
    %dma_wait3A_315 = arith.constant 0 : i32
    %dma_wait3A_316 = arith.constant 0 : i32
    %dma_wait3A_317 = tpu.memref_slice %arg6[%dma_wait3A_314, %dma_wait3A_315, %dma_wait3A_316] : memref<7x8x2048xf32, #tpu.memory_space<vmem>> -> memref<1x8x2048xf32, #tpu.memory_space<vmem>>
    %dma_wait3A_318 = tpu.memref_squeeze %dma_wait3A_317 : memref<1x8x2048xf32, #tpu.memory_space<vmem>> -> memref<8x2048xf32, #tpu.memory_space<vmem>>
    %dma_wait3A_319 = arith.constant 0 : i32
    %dma_wait3A_320 = arith.constant 0 : i32
    %dma_wait3A_321 = tpu.memref_slice %arg4[%add3A, %dma_wait3A_319, %dma_wait3A_320] : memref<32x512x2048xf32, #tpu.memory_space<hbm>> -> memref<1x8x2048xf32, #tpu.memory_space<hbm>>
    %dma_wait3A_322 = tpu.memref_squeeze %dma_wait3A_321 : memref<1x8x2048xf32, #tpu.memory_space<hbm>> -> memref<8x2048xf32, #tpu.memory_space<hbm>>
    %dma_wait3A_323 = arith.constant 0 : i32
    %dma_wait3A_324 = arith.constant 0 : i32
    %dma_wait3A_325 = tpu.memref_slice %arg4[%add3A, %dma_wait3A_323, %dma_wait3A_324] : memref<32x512x2048xf32, #tpu.memory_space<hbm>> -> memref<1x8x2048xf32, #tpu.memory_space<hbm>>
    %dma_wait3A_326 = tpu.memref_squeeze %dma_wait3A_325 : memref<1x8x2048xf32, #tpu.memory_space<hbm>> -> memref<8x2048xf32, #tpu.memory_space<hbm>>
    %dma_wait3A_327 = arith.constant 0 : i32
    %dma_wait3A_328 = arith.constant 0 : i32
    %dma_wait3A_329 = tpu.memref_slice %arg6[%dma_wait3A_314, %dma_wait3A_327, %dma_wait3A_328] : memref<7x8x2048xf32, #tpu.memory_space<vmem>> -> memref<1x8x2048xf32, #tpu.memory_space<vmem>>
    %dma_wait3A_330 = tpu.memref_squeeze %dma_wait3A_329 : memref<1x8x2048xf32, #tpu.memory_space<vmem>> -> memref<8x2048xf32, #tpu.memory_space<vmem>>
    tpu.wait_dma2 semaphore(%arg12 : memref<!tpu.dma_semaphore, #tpu.memory_space<semaphore_mem>>) src(%dma_wait3A_330 : memref<8x2048xf32, #tpu.memory_space<vmem>>) dst(%dma_wait3A_326 : memref<8x2048xf32, #tpu.memory_space<hbm>>)
    %dma_wait3A_331 = arith.constant 0 : i32
    %dma_wait3A_332 = arith.constant 0 : i32
    %dma_wait3A_333 = arith.constant 0 : i32
    %dma_wait3A_334 = tpu.memref_slice %arg6[%dma_wait3A_331, %dma_wait3A_332, %dma_wait3A_333] : memref<7x8x2048xf32, #tpu.memory_space<vmem>> -> memref<1x8x2048xf32, #tpu.memory_space<vmem>>
    %dma_wait3A_335 = tpu.memref_squeeze %dma_wait3A_334 : memref<1x8x2048xf32, #tpu.memory_space<vmem>> -> memref<8x2048xf32, #tpu.memory_space<vmem>>
    %dma_wait3A_336 = arith.constant 0 : i32
    %dma_wait3A_337 = tpu.memref_slice %arg5[%dma_wait3A_336] : memref<512xi32, #tpu.memory_space<vmem>> -> memref<8xi32, #tpu.memory_space<vmem>>
    %dma_wait3A_338 = arith.constant 0 : i32
    %dma_wait3A_339 = arith.constant 0 : i32
    %dma_wait3A_340 = tpu.memref_slice %arg3[%dma_wait3A_338, %dma_wait3A_339] : memref<1000x2048xf32, #tpu.memory_space<hbm>> -> memref<1000x2048xf32, #tpu.memory_space<hbm>>
    tpu.wait_indirect_dma semaphore(%arg7 : memref<!tpu.dma_semaphore, #tpu.memory_space<semaphore_mem>>) src(%dma_wait3A_340 : memref<1000x2048xf32, #tpu.memory_space<hbm>>) dst(%dma_wait3A_335 : memref<8x2048xf32, #tpu.memory_space<vmem>>)
    %dma_start3A_341 = arith.constant 6 : i32
    %dma_start3A_342 = arith.constant 0 : i32
    %dma_start3A_343 = arith.constant 0 : i32
    %dma_start3A_344 = tpu.memref_slice %arg6[%dma_start3A_341, %dma_start3A_342, %dma_start3A_343] : memref<7x8x2048xf32, #tpu.memory_space<vmem>> -> memref<1x8x2048xf32, #tpu.memory_space<vmem>>
    %dma_start3A_345 = tpu.memref_squeeze %dma_start3A_344 : memref<1x8x2048xf32, #tpu.memory_space<vmem>> -> memref<8x2048xf32, #tpu.memory_space<vmem>>
    %dma_start3A_346 = arith.constant 496 : i32
    %dma_start3A_347 = arith.constant 0 : i32
    %dma_start3A_348 = tpu.memref_slice %arg4[%add3A, %dma_start3A_346, %dma_start3A_347] : memref<32x512x2048xf32, #tpu.memory_space<hbm>> -> memref<1x8x2048xf32, #tpu.memory_space<hbm>>
    %dma_start3A_349 = tpu.memref_squeeze %dma_start3A_348 : memref<1x8x2048xf32, #tpu.memory_space<hbm>> -> memref<8x2048xf32, #tpu.memory_space<hbm>>
    %dma_start3A_350 = arith.constant 496 : i32
    %dma_start3A_351 = arith.constant 0 : i32
    %dma_start3A_352 = tpu.memref_slice %arg4[%add3A, %dma_start3A_350, %dma_start3A_351] : memref<32x512x2048xf32, #tpu.memory_space<hbm>> -> memref<1x8x2048xf32, #tpu.memory_space<hbm>>
    %dma_start3A_353 = tpu.memref_squeeze %dma_start3A_352 : memref<1x8x2048xf32, #tpu.memory_space<hbm>> -> memref<8x2048xf32, #tpu.memory_space<hbm>>
    %dma_start3A_354 = arith.constant 0 : i32
    %dma_start3A_355 = arith.constant 0 : i32
    %dma_start3A_356 = tpu.memref_slice %arg6[%dma_start3A_341, %dma_start3A_354, %dma_start3A_355] : memref<7x8x2048xf32, #tpu.memory_space<vmem>> -> memref<1x8x2048xf32, #tpu.memory_space<vmem>>
    %dma_start3A_357 = tpu.memref_squeeze %dma_start3A_356 : memref<1x8x2048xf32, #tpu.memory_space<vmem>> -> memref<8x2048xf32, #tpu.memory_space<vmem>>
    tpu.enqueue_dma source(%dma_start3A_357 : memref<8x2048xf32, #tpu.memory_space<vmem>>) target(%dma_start3A_353 : memref<8x2048xf32, #tpu.memory_space<hbm>>) target_semaphore(%arg14 : memref<!tpu.dma_semaphore, #tpu.memory_space<semaphore_mem>>)
    %dma_wait3A_358 = arith.constant 0 : i32
    %dma_wait3A_359 = arith.constant 0 : i32
    %dma_wait3A_360 = arith.constant 0 : i32
    %dma_wait3A_361 = tpu.memref_slice %arg6[%dma_wait3A_358, %dma_wait3A_359, %dma_wait3A_360] : memref<7x8x2048xf32, #tpu.memory_space<vmem>> -> memref<1x8x2048xf32, #tpu.memory_space<vmem>>
    %dma_wait3A_362 = tpu.memref_squeeze %dma_wait3A_361 : memref<1x8x2048xf32, #tpu.memory_space<vmem>> -> memref<8x2048xf32, #tpu.memory_space<vmem>>
    %dma_wait3A_363 = arith.constant 0 : i32
    %dma_wait3A_364 = arith.constant 0 : i32
    %dma_wait3A_365 = tpu.memref_slice %arg4[%add3A, %dma_wait3A_363, %dma_wait3A_364] : memref<32x512x2048xf32, #tpu.memory_space<hbm>> -> memref<1x8x2048xf32, #tpu.memory_space<hbm>>
    %dma_wait3A_366 = tpu.memref_squeeze %dma_wait3A_365 : memref<1x8x2048xf32, #tpu.memory_space<hbm>> -> memref<8x2048xf32, #tpu.memory_space<hbm>>
    %dma_wait3A_367 = arith.constant 0 : i32
    %dma_wait3A_368 = arith.constant 0 : i32
    %dma_wait3A_369 = tpu.memref_slice %arg4[%add3A, %dma_wait3A_367, %dma_wait3A_368] : memref<32x512x2048xf32, #tpu.memory_space<hbm>> -> memref<1x8x2048xf32, #tpu.memory_space<hbm>>
    %dma_wait3A_370 = tpu.memref_squeeze %dma_wait3A_369 : memref<1x8x2048xf32, #tpu.memory_space<hbm>> -> memref<8x2048xf32, #tpu.memory_space<hbm>>
    %dma_wait3A_371 = arith.constant 0 : i32
    %dma_wait3A_372 = arith.constant 0 : i32
    %dma_wait3A_373 = tpu.memref_slice %arg6[%dma_wait3A_358, %dma_wait3A_371, %dma_wait3A_372] : memref<7x8x2048xf32, #tpu.memory_space<vmem>> -> memref<1x8x2048xf32, #tpu.memory_space<vmem>>
    %dma_wait3A_374 = tpu.memref_squeeze %dma_wait3A_373 : memref<1x8x2048xf32, #tpu.memory_space<vmem>> -> memref<8x2048xf32, #tpu.memory_space<vmem>>
    tpu.wait_dma2 semaphore(%arg13 : memref<!tpu.dma_semaphore, #tpu.memory_space<semaphore_mem>>) src(%dma_wait3A_374 : memref<8x2048xf32, #tpu.memory_space<vmem>>) dst(%dma_wait3A_370 : memref<8x2048xf32, #tpu.memory_space<hbm>>)
    %dma_wait3A_375 = arith.constant 0 : i32
    %dma_wait3A_376 = arith.constant 0 : i32
    %dma_wait3A_377 = arith.constant 0 : i32
    %dma_wait3A_378 = tpu.memref_slice %arg6[%dma_wait3A_375, %dma_wait3A_376, %dma_wait3A_377] : memref<7x8x2048xf32, #tpu.memory_space<vmem>> -> memref<1x8x2048xf32, #tpu.memory_space<vmem>>
    %dma_wait3A_379 = tpu.memref_squeeze %dma_wait3A_378 : memref<1x8x2048xf32, #tpu.memory_space<vmem>> -> memref<8x2048xf32, #tpu.memory_space<vmem>>
    %dma_wait3A_380 = arith.constant 0 : i32
    %dma_wait3A_381 = tpu.memref_slice %arg5[%dma_wait3A_380] : memref<512xi32, #tpu.memory_space<vmem>> -> memref<8xi32, #tpu.memory_space<vmem>>
    %dma_wait3A_382 = arith.constant 0 : i32
    %dma_wait3A_383 = arith.constant 0 : i32
    %dma_wait3A_384 = tpu.memref_slice %arg3[%dma_wait3A_382, %dma_wait3A_383] : memref<1000x2048xf32, #tpu.memory_space<hbm>> -> memref<1000x2048xf32, #tpu.memory_space<hbm>>
    tpu.wait_indirect_dma semaphore(%arg7 : memref<!tpu.dma_semaphore, #tpu.memory_space<semaphore_mem>>) src(%dma_wait3A_384 : memref<1000x2048xf32, #tpu.memory_space<hbm>>) dst(%dma_wait3A_379 : memref<8x2048xf32, #tpu.memory_space<vmem>>)
    %dma_start3A_385 = arith.constant 0 : i32
    %dma_start3A_386 = arith.constant 0 : i32
    %dma_start3A_387 = arith.constant 0 : i32
    %dma_start3A_388 = tpu.memref_slice %arg6[%dma_start3A_385, %dma_start3A_386, %dma_start3A_387] : memref<7x8x2048xf32, #tpu.memory_space<vmem>> -> memref<1x8x2048xf32, #tpu.memory_space<vmem>>
    %dma_start3A_389 = tpu.memref_squeeze %dma_start3A_388 : memref<1x8x2048xf32, #tpu.memory_space<vmem>> -> memref<8x2048xf32, #tpu.memory_space<vmem>>
    %dma_start3A_390 = arith.constant 504 : i32
    %dma_start3A_391 = arith.constant 0 : i32
    %dma_start3A_392 = tpu.memref_slice %arg4[%add3A, %dma_start3A_390, %dma_start3A_391] : memref<32x512x2048xf32, #tpu.memory_space<hbm>> -> memref<1x8x2048xf32, #tpu.memory_space<hbm>>
    %dma_start3A_393 = tpu.memref_squeeze %dma_start3A_392 : memref<1x8x2048xf32, #tpu.memory_space<hbm>> -> memref<8x2048xf32, #tpu.memory_space<hbm>>
    %dma_start3A_394 = arith.constant 504 : i32
    %dma_start3A_395 = arith.constant 0 : i32
    %dma_start3A_396 = tpu.memref_slice %arg4[%add3A, %dma_start3A_394, %dma_start3A_395] : memref<32x512x2048xf32, #tpu.memory_space<hbm>> -> memref<1x8x2048xf32, #tpu.memory_space<hbm>>
    %dma_start3A_397 = tpu.memref_squeeze %dma_start3A_396 : memref<1x8x2048xf32, #tpu.memory_space<hbm>> -> memref<8x2048xf32, #tpu.memory_space<hbm>>
    %dma_start3A_398 = arith.constant 0 : i32
    %dma_start3A_399 = arith.constant 0 : i32
    %dma_start3A_400 = tpu.memref_slice %arg6[%dma_start3A_385, %dma_start3A_398, %dma_start3A_399] : memref<7x8x2048xf32, #tpu.memory_space<vmem>> -> memref<1x8x2048xf32, #tpu.memory_space<vmem>>
    %dma_start3A_401 = tpu.memref_squeeze %dma_start3A_400 : memref<1x8x2048xf32, #tpu.memory_space<vmem>> -> memref<8x2048xf32, #tpu.memory_space<vmem>>
    tpu.enqueue_dma source(%dma_start3A_401 : memref<8x2048xf32, #tpu.memory_space<vmem>>) target(%dma_start3A_397 : memref<8x2048xf32, #tpu.memory_space<hbm>>) target_semaphore(%arg8 : memref<!tpu.dma_semaphore, #tpu.memory_space<semaphore_mem>>)
    %dma_wait3A_402 = arith.constant 0 : i32
    %dma_wait3A_403 = arith.constant 0 : i32
    %dma_wait3A_404 = arith.constant 0 : i32
    %dma_wait3A_405 = tpu.memref_slice %arg6[%dma_wait3A_402, %dma_wait3A_403, %dma_wait3A_404] : memref<7x8x2048xf32, #tpu.memory_space<vmem>> -> memref<1x8x2048xf32, #tpu.memory_space<vmem>>
    %dma_wait3A_406 = tpu.memref_squeeze %dma_wait3A_405 : memref<1x8x2048xf32, #tpu.memory_space<vmem>> -> memref<8x2048xf32, #tpu.memory_space<vmem>>
    %dma_wait3A_407 = arith.constant 0 : i32
    %dma_wait3A_408 = arith.constant 0 : i32
    %dma_wait3A_409 = tpu.memref_slice %arg4[%add3A, %dma_wait3A_407, %dma_wait3A_408] : memref<32x512x2048xf32, #tpu.memory_space<hbm>> -> memref<1x8x2048xf32, #tpu.memory_space<hbm>>
    %dma_wait3A_410 = tpu.memref_squeeze %dma_wait3A_409 : memref<1x8x2048xf32, #tpu.memory_space<hbm>> -> memref<8x2048xf32, #tpu.memory_space<hbm>>
    %dma_wait3A_411 = arith.constant 0 : i32
    %dma_wait3A_412 = arith.constant 0 : i32
    %dma_wait3A_413 = tpu.memref_slice %arg4[%add3A, %dma_wait3A_411, %dma_wait3A_412] : memref<32x512x2048xf32, #tpu.memory_space<hbm>> -> memref<1x8x2048xf32, #tpu.memory_space<hbm>>
    %dma_wait3A_414 = tpu.memref_squeeze %dma_wait3A_413 : memref<1x8x2048xf32, #tpu.memory_space<hbm>> -> memref<8x2048xf32, #tpu.memory_space<hbm>>
    %dma_wait3A_415 = arith.constant 0 : i32
    %dma_wait3A_416 = arith.constant 0 : i32
    %dma_wait3A_417 = tpu.memref_slice %arg6[%dma_wait3A_402, %dma_wait3A_415, %dma_wait3A_416] : memref<7x8x2048xf32, #tpu.memory_space<vmem>> -> memref<1x8x2048xf32, #tpu.memory_space<vmem>>
    %dma_wait3A_418 = tpu.memref_squeeze %dma_wait3A_417 : memref<1x8x2048xf32, #tpu.memory_space<vmem>> -> memref<8x2048xf32, #tpu.memory_space<vmem>>
    tpu.wait_dma2 semaphore(%arg14 : memref<!tpu.dma_semaphore, #tpu.memory_space<semaphore_mem>>) src(%dma_wait3A_418 : memref<8x2048xf32, #tpu.memory_space<vmem>>) dst(%dma_wait3A_414 : memref<8x2048xf32, #tpu.memory_space<hbm>>)
    %dma_wait3A_419 = arith.constant 0 : i32
    %dma_wait3A_420 = arith.constant 0 : i32
    %dma_wait3A_421 = arith.constant 0 : i32
    %dma_wait3A_422 = tpu.memref_slice %arg6[%dma_wait3A_419, %dma_wait3A_420, %dma_wait3A_421] : memref<7x8x2048xf32, #tpu.memory_space<vmem>> -> memref<1x8x2048xf32, #tpu.memory_space<vmem>>
    %dma_wait3A_423 = tpu.memref_squeeze %dma_wait3A_422 : memref<1x8x2048xf32, #tpu.memory_space<vmem>> -> memref<8x2048xf32, #tpu.memory_space<vmem>>
    %dma_wait3A_424 = arith.constant 0 : i32
    %dma_wait3A_425 = arith.constant 0 : i32
    %dma_wait3A_426 = tpu.memref_slice %arg4[%add3A, %dma_wait3A_424, %dma_wait3A_425] : memref<32x512x2048xf32, #tpu.memory_space<hbm>> -> memref<1x8x2048xf32, #tpu.memory_space<hbm>>
    %dma_wait3A_427 = tpu.memref_squeeze %dma_wait3A_426 : memref<1x8x2048xf32, #tpu.memory_space<hbm>> -> memref<8x2048xf32, #tpu.memory_space<hbm>>
    %dma_wait3A_428 = arith.constant 0 : i32
    %dma_wait3A_429 = arith.constant 0 : i32
    %dma_wait3A_430 = tpu.memref_slice %arg4[%add3A, %dma_wait3A_428, %dma_wait3A_429] : memref<32x512x2048xf32, #tpu.memory_space<hbm>> -> memref<1x8x2048xf32, #tpu.memory_space<hbm>>
    %dma_wait3A_431 = tpu.memref_squeeze %dma_wait3A_430 : memref<1x8x2048xf32, #tpu.memory_space<hbm>> -> memref<8x2048xf32, #tpu.memory_space<hbm>>
    %dma_wait3A_432 = arith.constant 0 : i32
    %dma_wait3A_433 = arith.constant 0 : i32
    %dma_wait3A_434 = tpu.memref_slice %arg6[%dma_wait3A_419, %dma_wait3A_432, %dma_wait3A_433] : memref<7x8x2048xf32, #tpu.memory_space<vmem>> -> memref<1x8x2048xf32, #tpu.memory_space<vmem>>
    %dma_wait3A_435 = tpu.memref_squeeze %dma_wait3A_434 : memref<1x8x2048xf32, #tpu.memory_space<vmem>> -> memref<8x2048xf32, #tpu.memory_space<vmem>>
    tpu.wait_dma2 semaphore(%arg8 : memref<!tpu.dma_semaphore, #tpu.memory_space<semaphore_mem>>) src(%dma_wait3A_435 : memref<8x2048xf32, #tpu.memory_space<vmem>>) dst(%dma_wait3A_431 : memref<8x2048xf32, #tpu.memory_space<hbm>>)
    return
  }
}

module attributes {stable_mosaic.version = 14 : i64} {
  func.func @_proj_body(%arg0: i32, %arg1: memref<1000x2048xf32, #tpu.memory_space<vmem>>, %arg2: memref<512x2048xf32, #tpu.memory_space<vmem>>, %arg3: memref<1x512xf32, #tpu.memory_space<vmem>>, %arg4: memref<1000x512xf32, #tpu.memory_space<vmem>>) attributes {dimension_semantics = [#tpu.dimension_semantics<arbitrary>], iteration_bounds = array<i64: 4>, scalar_prefetch = 0 : i64, scratch_operands = 0 : i64, tpu.core_type = #tpu.core_type<tc>, window_params = [{pipeline_mode = #tpu.pipeline_mode<synchronous>, transform_indices = @transform_0, window_bounds = array<i64: 1000, 2048>}, {transform_indices = @transform_1, window_bounds = array<i64: 512, 2048>}, {transform_indices = @transform_2, window_bounds = array<i64: 1, 512>}, {transform_indices = @transform_3, window_bounds = array<i64: 1000, 512>}]} {
    %get3A = arith.constant 0 : index
    %get3A_0 = arith.constant 0 : index
    %get3A_1 = vector.load %arg1[%get3A, %get3A_0] : memref<1000x2048xf32, #tpu.memory_space<vmem>>, vector<1000x2048xf32>
    %get3A_2 = arith.constant 0 : index
    %get3A_3 = arith.constant 0 : index
    %get3A_4 = vector.load %arg2[%get3A_2, %get3A_3] : memref<512x2048xf32, #tpu.memory_space<vmem>>, vector<512x2048xf32>
    %dot_general3A = arith.constant dense<0.000000e+00> : vector<1000x512xf32>
    %dot_general3A_5 = tpu.matmul %get3A_1, %get3A_4, %dot_general3A {dimension_numbers = #tpu.dot_dimension_numbers<[1], [1], [0], [0], [0, 0, 1, 0], [], []>, transpose_lhs_hint = false} : vector<1000x2048xf32>, vector<512x2048xf32>, vector<1000x512xf32> -> vector<1000x512xf32>
    %get3A_6 = arith.constant 0 : index
    %get3A_7 = arith.constant 0 : index
    %get3A_8 = vector.load %arg3[%get3A_6, %get3A_7] : memref<1x512xf32, #tpu.memory_space<vmem>>, vector<1x512xf32>
    %add3A = vector.broadcast %get3A_8 : vector<1x512xf32> to vector<1000x512xf32>
    %add3A_9 = arith.addf %dot_general3A_5, %add3A : vector<1000x512xf32>
    %swap3A = arith.constant 0 : index
    %swap3A_10 = arith.constant 0 : index
    %swap3A_11 = vector.load %arg4[%swap3A, %swap3A_10] : memref<1000x512xf32, #tpu.memory_space<vmem>>, vector<1000x512xf32>
    tpu.vector_store %arg4[%swap3A, %swap3A_10], %add3A_9 {strides = array<i32>} : memref<1000x512xf32, #tpu.memory_space<vmem>>, vector<1000x512xf32>,
    return
  }
  func.func @transform_0(%arg0: i32) -> (i32, i32) {
    %c0_i32 = arith.constant 0 : i32
    %c0_i32_0 = arith.constant 0 : i32
    %c0_i32_1 = arith.constant 0 : i32
    return %c0_i32, %c0_i32_0 : i32, i32
  }
  func.func @transform_1(%arg0: i32) -> (i32, i32) {
    %c0_i32 = arith.constant 0 : i32
    %c0_i32_0 = arith.constant 0 : i32
    return %arg0, %c0_i32 : i32, i32
  }
  func.func @transform_2(%arg0: i32) -> (i32, i32) {
    %c0_i32 = arith.constant 0 : i32
    %c0_i32_0 = arith.constant 0 : i32
    return %c0_i32, %arg0 : i32, i32
  }
  func.func @transform_3(%arg0: i32) -> (i32, i32) {
    %c0_i32 = arith.constant 0 : i32
    %c0_i32_0 = arith.constant 0 : i32
    return %c0_i32, %arg0 : i32, i32
  }
}

</mosaic_0001>

<sc_bundles>
// kernel: kernel.4.cloned.1.call-start
scs
__scs_entry_jumppad:
0x0: {  	(pc) =	sbr.rel $0x88, $3  }
0x1: {  	(tag) =	ssettag $0x0;
	lr =	simm.s32 $0x1  }
0x2: {  	[smem:$0x3F9D] =	sst lr;
	_ =	strace $0xD0000000  }
0x3: {  	_ = 	snop  }
0x4: {  	_ = 	snop  }
0x5: {  	_ = 	snop  }
0x6: {  	_ = 	snop  }
0x7: {  	_ = 	snop  }
__scs_overlays_trampoline_lowered:
0x8: {  	[smem:$0x3FAC] =	sst s0  }
0x9: {  	[smem:$0x3FAD] =	sst s1  }
0xa: {  	[smem:$0x3FAE] =	sst s2  }
0xb: {  	[smem:$0x3FAF] =	sst s3  }
0xc: {  	[smem:$0x3FB0] =	sst s4  }
0xd: {  	[smem:$0x3FB1] =	sst s5  }
0xe: {  	[smem:$0x3FB2] =	sst s6  }
0xf: {  	[smem:$0x3FB3] =	sst s7  }
0x10: {  	[smem:$0x3FB4] =	sst s8  }
0x11: {  	[smem:$0x3FB5] =	sst s9;
	s0 =	simm.s32 @!p0 $0x0  }
0x12: {  	s1 =	sld [smem:$0x3F9B];
	s0 =	simm.s32 @p0 $0x1  }
0x13: {  	[smem:$0x3FB6] =	sst s0;
	s0 =	simm.s32 @!p1 $0x0  }
0x14: {  	s2 =	sld [smem:$0x3F9A];
	s0 =	simm.s32 @p1 $0x1  }
0x15: {  	[smem:$0x3FB7] =	sst s0;
	s0 =	simm.s32 @!p2 $0x0  }
0x16: {  	s3 =	sld [smem:$0x3FDB];
	s0 =	simm.s32 @p2 $0x1  }
0x17: {  	s4 =	simm.s32 $0x1BF5;
	[smem:$0x3FB9] =	sst s0  }
0x18: {  	s0 =	sld [smem:$0x3F9C];
	_ =	swait.ge [sflag:s4], $0x0  }
0x19: {  	s7 =	sld [smem:$0x3F9D]  }
0x1a: {  	s8 =	sadd.s32 $0xFFFFE003, lr  }
0x1b: {  	s9 =	sadd.s32 $0xFFFFFEF7, lr;
	s5 =	simm.s32 $0xFFFFFFFF;
	p2 =	slt.u32 s8, $0xFFFFF086  }
0x1c: {  	p1 =	slt.u32 s9, $0xF7A;
	s5 =	simm.s32 @!p2 $0x0  }
0x1d: {  	s5 =	simm.s32 @p1 $0x1;
	p0 =	seq.s32 s7, s2  }
0x1e: {  	s7 =	smul.u32 @!p0 $0xF7A, s2;
	p2 =	seq.s32 @!p0 s5, $0x0  }
0x1f: {  	s9 =	smul.u32 $0xF7A, s1;
	s8 =	simm.s32 @!p0 $0x1BF5;
	p2 =	por !p2, p0  }
0x20: {  	[sflag:s8] =	ssyncset.s32 @!p0 $0xFFFFF086;
	s6 =	sadd.s32 @!p0 s3, s7;
	s7 =	simm.s32 @!p0 $0x108  }
0x21: {  	s3 =	sadd.s32 s3, s9;
	s6 =	sadd.s32 @!p0 $0x88, s6;
	s7 =	simm.s32 @p2 $0x1082  }
0x22: {  	[simem:s7], [sflag:s8] =	dma.local @!p0 [hbm:s6], $0xF7A  }
0x23: {  	s9 =	sor.u32 $0xD0000000, s2;
	s6 =	simm.s32 $0x108;
	_ =	swait.ge @!p0 [sflag:s8], $0x0  }
0x24: {  	s3 =	sadd.s32 $0x88, s3;
	s6 =	simm.s32 @!p1 $0x1082;
	[sflag:s4] =	ssyncset.s32 $0xFFFFF086  }
0x25: {  	[simem:s6], [sflag:s4] =	dma.local [hbm:s3], $0xF7A  }
0x26: {  	[smem:$0x3F9D] =	sst s1;
	(tag) =	ssettag s2;
	_ =	strace s9  }
0x27: {  	s1 =	sld [smem:$0x3FAD]  }
0x28: {  	s2 =	sld [smem:$0x3FAE]  }
0x29: {  	s4 =	sld [smem:$0x3FB0]  }
0x2a: {  	p0 =	seq.s32 s5, $0x0;
	s5 =	sld [smem:$0x3FB1]  }
0x2b: {  	s6 =	sld [smem:$0x3FB2]  }
0x2c: {  	s7 =	sld [smem:$0x3FB3]  }
0x2d: {  	s3 =	simm.s32 $0x108;
	s8 =	sld [smem:$0x3FB4]  }
0x2e: {  	s3 =	simm.s32 @!p0 $0x1082;
	s9 =	sld [smem:$0x3FB5]  }
0x2f: {  	lr =	sadd.s32 s0, s3;
	s0 =	sld [smem:$0x3FAC]  }
0x30: {  	s3 =	sld [smem:$0x3FAF]  }
0x31: {  	[smem:$0x3FB8] =	sst s10  }
0x32: {  	s10 =	sld [smem:$0x3FB6];
	_ =	sdelay $0x3  }
0x33: {  	p0 =	seq.s32 s10, $0x1;
	s10 =	sld [smem:$0x3FB8];
	_ =	sdelay $0x3  }
0x34: {  	[smem:$0x3FB8] =	sst s10  }
0x35: {  	s10 =	sld [smem:$0x3FB7];
	_ =	sdelay $0x3  }
0x36: {  	p1 =	seq.s32 s10, $0x1;
	s10 =	sld [smem:$0x3FB8];
	_ =	sdelay $0x3  }
0x37: {  	[smem:$0x3FB8] =	sst s10  }
0x38: {  	s10 =	sld [smem:$0x3FB9]  }
0x39: {  	_ = 	snop;
	(pc) =	sbr.ind lr, $3  }
0x3a: {  	_ = 	snop  }
0x3b: {  	_ = 	snop  }
0x3c: {  	p2 =	seq.s32 s10, $0x1;
	s10 =	sld [smem:$0x3FB8]  }
0x3d: {  	_ =	shalt  }
0x3e: {  	_ =	shalt  }
0x3f: {  	_ =	shalt  }
0x40: {  	_ =	shalt  }
0x41: {  	_ =	shalt  }
0x42: {  	_ =	shalt  }
0x43: {  	_ =	shalt  }
0x44: {  	_ =	shalt  }
0x45: {  	_ =	shalt  }
0x46: {  	_ =	shalt  }
0x47: {  	_ =	shalt  }
0x48: {  	_ =	shalt  }
0x49: {  	_ =	shalt  }
0x4a: {  	_ =	shalt  }
0x4b: {  	_ =	shalt  }
0x4c: {  	_ =	shalt  }
0x4d: {  	_ =	shalt  }
0x4e: {  	_ =	shalt  }
0x4f: {  	_ =	shalt  }
0x50: {  	_ =	shalt  }
0x51: {  	_ =	shalt  }
0x52: {  	_ =	shalt  }
0x53: {  	_ =	shalt  }
0x54: {  	_ =	shalt  }
0x55: {  	_ =	shalt  }
0x56: {  	_ =	shalt  }
0x57: {  	_ =	shalt  }
0x58: {  	_ =	shalt  }
0x59: {  	_ =	shalt  }
0x5a: {  	_ =	shalt  }
0x5b: {  	_ =	shalt  }
0x5c: {  	_ =	shalt  }
0x5d: {  	_ =	shalt  }
0x5e: {  	_ =	shalt  }
0x5f: {  	_ =	shalt  }
0x60: {  	_ =	shalt  }
0x61: {  	_ =	shalt  }
0x62: {  	_ =	shalt  }
0x63: {  	_ =	shalt  }
0x64: {  	_ =	shalt  }
0x65: {  	_ =	shalt  }
0x66: {  	_ =	shalt  }
0x67: {  	_ =	shalt  }
0x68: {  	_ =	shalt  }
0x69: {  	_ =	shalt  }
0x6a: {  	_ =	shalt  }
0x6b: {  	_ =	shalt  }
0x6c: {  	_ =	shalt  }
0x6d: {  	_ =	shalt  }
0x6e: {  	_ =	shalt  }
0x6f: {  	_ =	shalt  }
0x70: {  	_ =	shalt  }
0x71: {  	_ =	shalt  }
0x72: {  	_ =	shalt  }
0x73: {  	_ =	shalt  }
0x74: {  	_ =	shalt  }
0x75: {  	_ =	shalt  }
0x76: {  	_ =	shalt  }
0x77: {  	_ =	shalt  }
0x78: {  	_ =	shalt  }
0x79: {  	_ =	shalt  }
0x7a: {  	_ =	shalt  }
0x7b: {  	_ =	shalt  }
0x7c: {  	_ =	shalt  }
0x7d: {  	_ =	shalt  }
0x7e: {  	_ =	shalt  }
0x7f: {  	_ =	shalt  }
0x80: {  	_ =	shalt  }
0x81: {  	_ =	shalt  }
0x82: {  	_ =	shalt  }
0x83: {  	_ =	shalt  }
0x84: {  	_ =	shalt  }
0x85: {  	_ =	shalt  }
0x86: {  	_ =	shalt  }
0x87: {  	_ =	shalt  }
.Lfunc_end0:
.L_simem_size_0:
called_computation_lowered:
.L_overlay_start_0:
0x88: {  	s2 =	sld [smem:$0x3FD9]  }
0x89: {  	s3 =	sld [smem:$0x3FFE];
	_ =	sdelay $0x1  }
0x8a: {  	s1 =	srdreg.scid  }
0x8b: {  	s0 =	sand.u32 $0x1, s1  }
0x8c: {  	s17 =	sshll.u32 s0, $0xA;
	s2 =	sadd.s32 s3, s2  }
0x8d: {  	s2 =	sadd.s32 s2, s17  }
0x8e: {  	[smem:$0x3FC4] =	sst s2  }
0x8f: {  	_ = 	snop  }
0x90: {  	s2 =	sld [smem:$0x3FD0];
	(tm) =	ssettm $0x1  }
0x91: {  	s18 =	sld [smem:$0x3FFB];
	_ =	sdelay $0x3  }
0x92: {  	_ =	strace s18  }
0x93: {  	s3 =	sld [smem:$0x3FFC];
	_ =	sdelay $0x3  }
0x94: {  	_ =	strace s3  }
0x95: {  	s3 =	sld [smem:$0x3FFD];
	_ =	sdelay $0x3  }
0x96: {  	_ =	strace s3  }
0x97: {  	_ =	strace $0x8FFFFFFF  }
0x98: {  	s19 =	sld [smem:$0x3FDB];
	_ =	sdelay $0x1  }
0x99: {  	s4 =	simm.s32 $_scs_section_size  }
0x9a: {  	s5 =	simm.s32 $_size__tile_overlayer_lowered;
	s6 =	simm.s32 $_tile_overlayer_lowered  }
0x9b: {  	s22 =	simm.s32 $0x1BFF;
	s21 =	sshll.u32 s6, $0x1;
	s3 =	sadd.s32 s4, s19  }
0x9c: {  	s7 =	simm.s32 $0x0;
	s20 =	sshll.u32 s5, $0x1;
	s5 =	sadd.s32 s21, s3  }
0x9d: {  	[timem:s7], [sflag:s22] =	dma.local [hbm:s5], s20  }
0x9e: {  	_ =	swait.ge [sflag:s22], s20  }
0x9f: {  	s4 =	ssub.s32 $0x0, s20;
	[sflag:s22] =	ssyncset.done $0x0  }
0xa0: {  	[sflag:s22] =	ssyncadd.s32 s4;
	_ =	sdelay $0x1  }
0xa1: {  	s23 =	simm.s32 $0x1B8B  }
0xa2: {  	_ =	swait.ge [sflag:s23], $0x1  }
0xa3: {  	[sflag:s23] =	ssyncset.done $0x0  }
0xa4: {  	s25 =	simm.s32 $0x1B8E;
	s24 =	sld [smem:$0x3FFE];
	[sflag:s23] =	ssyncadd.s32 $0xFFFFFFFF  }
0xa5: {  	s26 =	simm.s32 $execute0_lowered;
	[smem:$0x3FD2] =	sst s25  }
0xa6: {  	s5 =	sshll.u32 s26, $0x1;
	_ =	strace $0x80000046;
	[dreg:$0x1] =	wrdreg $0xFFFFFFFF  }
0xa7: {  	s28 =	simm.s32 $_size_execute0_lowered;
	s3 =	sadd.s32 s3, s5;
	[dreg:$0x0] =	wrdreg $0x0  }
0xa8: {  	s5 =	sshll.u32 s28, $0x1;
	[dreg:$0x2] =	wrdreg s3  }
0xa9: {  	[dreg:$0x3] =	wrdreg s5  }
0xaa: {  	[dreg:$0x4] =	wrdreg $0xC0  }
0xab: {  	_ =	task [dreg:s7], $0x5FFFF  }
0xac: {  	[dreg:$0x1] =	wrdreg $0xFFFFFFFF  }
0xad: {  	[dreg:$0x0] =	wrdreg $0x60  }
0xae: {  	[dreg:$0x2] =	wrdreg s24  }
0xaf: {  	[dreg:$0x3] =	wrdreg s2  }
0xb0: {  	[dreg:$0x4] =	wrdreg $0x9  }
0xb1: {  	_ =	task.clear_ibuf [dreg:s7], $0x5FFFF;
	_ =	strace $0x90000046  }
0xb2: {  	s29 =	simm.s32 $0x9;
	_ =	strace $0x80000048  }
0xb3: {  	_ =	swait.ge [sflag:s29], $0x1  }
0xb4: {  	[sflag:s29] =	ssyncadd.s32 $0xFFFFFFFF  }
0xb5: {  	_ =	strace $0x90000048  }
0xb6: {  	_ =	sfence  }
0xb7: {  	s30 =	sld [smem:$0x0];
	_ =	sdelay $0x2  }
0xb8: {  	s31 =	sshll.u32 s1, $0xD;
	s1 =	sshrl.u32 s1, $0x2  }
0xb9: {  	s3 =	sand.u32 $0x4000, s31;
	s1 =	sadd.s32 s1, s30  }
0xba: {  	s0 =	sor.u32 s3, s0;
	s1 =	sshll.u32 s1, $0x11  }
0xbb: {  	s0 =	sor.u32 s1, s0  }
0xbc: {  	s0 =	sadd.s32 $0x8F2B, s0  }
0xbd: {  	[sflag:s0] =	ssyncadd.remote.s32 $0x1  }
0xbe: {  	_ =	sfence.sel $0xFFFF  }
0xbf: {  	[dreg:$0x0] =	wrdreg $0xFFFFFFFF;
	(pc) =	sbr.abs _section_cstart, $3  }
0xc0: {  	[dreg:$0x1] =	wrdreg $0xFFFFFFFF  }
0xc1: {  	_ =	task.clear_ibuf [dreg:s7], $0x2FFFF;
	_ =	strace $0x9FFFFFFF  }
0xc2: {  	(tm) =	ssettm $0x7FFFFFFF  }
0xc3: {  	_ =	shalt  }
tec
execute0_lowered:
.L_overlay_start_1:
0x0: {  	(tag) =	ssettag $0x1  }
0x1: {  	s1 =	rddreg [dreg:$0x0]  }
0x2: {  	s0 =	rddreg [dreg:$0x1]  }
0x3: {  	s2 =	simm.s32 $0x0;
	s14 =	stileid.u32;
	s3 =	srdreg.scid  }
0x4: {  	s31 =	simm.s32 $0x17200;
	s28 =	simm.s32 $0x18200;
	[smem:$0x7FF] =	sst s2  }
0x5: {  	s4 =	sand.u32 $0x1, s3;
	s18 =	sshll.u32 s14, $0x1;
	s5 =	sshll.u32 s14, $0x7  }
0x6: {  	s3 =	sadd.s32 $0x1200, s1;
	s9 =	sadd.s32 $0x1700, s1;
	s10 =	sadd.s32 $0x1800, s1  }
0x7: {  	s11 =	sadd.s32 $0x1900, s1;
	s23 =	sshll.u32 s14, $0x15;
	s14 =	simm.s32 $0x5  }
0x8: {  	_ =	strace $0x80000047;
	s12 =	sor.u32 s4, s18;
	s19 =	sand.u32 $0x600, s5  }
0x9: {  	s20 =	ssub.s32 $0x2, s4;
	s4 =	sshll.u32 s4, $0x14;
	s22 =	sshll.u32 s12, $0x11  }
0xa: {  	s6 =	sshll.u32 s12, $0x4;
	s7 =	sadd.s32 s19, s1;
	s12 =	sadd.s32 s0, s22  }
0xb: {  	s8 =	sshrl.u32 s20, $0x1;
	s24 =	sadd.s32 $0x1C800, s12;
	[dreg:$0xb] =	wrdreg s12  }
0xc: {  	s6 =	sand.u32 $0x70, s6;
	s25 =	sadd.s32 $0x1D000, s12;
	[dreg:$0xc] =	wrdreg s24  }
0xd: {  	s13 =	ssub.s32 s20, s8;
	s26 =	sadd.s32 $0x1D800, s12;
	[dreg:$0xd] =	wrdreg s25  }
0xe: {  	s8 =	sadd.s32 $0x1600, s1;
	s29 =	sadd.s32 $0x1E000, s12;
	[dreg:$0xe] =	wrdreg s26  }
0xf: {  	s21 =	sadd.s32 s6, s7;
	s15 =	sadd.s32 $0x1E800, s12;
	[dreg:$0xf] =	wrdreg s29  }
0x10: {  	s6 =	sadd.s32 $0x1400, s1;
	s16 =	sadd.s32 $0x1F000, s12;
	[dreg:$0x10] =	wrdreg s15  }
0x11: {  	s7 =	sadd.s32 $0x1500, s1;
	s12 =	sadd.s32 $0x1F800, s12;
	[dreg:$0x11] =	wrdreg s16  }
0x12: {  	s5 =	sadd.s32 $0xA00, s21;
	[dreg:$0x12] =	wrdreg s12;
	s15 =	simm.s32 $0x6  }
0x13: {  	[dreg:$0xa] =	wrdreg s5;
	s5 =	sadd.s32 $0x1300, s1;
	s1 =	sor.u32 s4, s23  }
0x14: {  	s16 =	simm.s32 $0x8;
	s30 =	sor.u32 $0x4000, s1;
	s17 =	sor.u32 $0x8000, s1  }
0x15: {  	s19 =	sor.u32 $0xC000, s1;
	s20 =	sor.u32 $0x10000, s1;
	s24 =	sor.u32 $0x14000, s1  }
0x16: {  	s26 =	sor.u32 $0x18000, s1;
	s1 =	sor.u32 $0x1C000, s1;
	s4 =	sshrl.u32 s30, $0x3  }
0x17: {  	s18 =	sshrl.u32 s17, $0x3;
	s12 =	sshrl.u32 s19, $0x3;
	s22 =	sshrl.u32 s20, $0x3  }
0x18: {  	s25 =	sshrl.u32 s24, $0x3;
	s1 =	sshrl.u32 s1, $0x3;
	s30 =	smax.u32 s13, $0x1  }
0x19: {  	s24 =	simm.s32 $0x4200;
	s20 =	simm.s32 $0x8200;
	s13 =	simm.s32 $0x4  }
0x1a: {  	s17 =	simm.s32 $0x0;
	s4 =	sadd.s32 s4, s0;
	[dreg:$0x13] =	wrdreg s30  }
0x1b: {  	s21 =	sadd.s32 s12, s0;
	s23 =	sadd.s32 s22, s0;
	[dreg:$0x3] =	wrdreg s4  }
0x1c: {  	s12 =	sshrl.u32 s26, $0x3;
	s26 =	simm.s32 $0x1;
	[dreg:$0x5] =	wrdreg s21  }
0x1d: {  	s22 =	simm.s32 $0x3;
	s4 =	sadd.s32 s18, s0;
	[dreg:$0x6] =	wrdreg s23  }
0x1e: {  	s29 =	sadd.s32 s12, s0;
	s12 =	simm.s32 $0xC200;
	s18 =	simm.s32 $0x10200  }
0x1f: {  	s23 =	simm.s32 $0x14200;
	s21 =	simm.s32 $0x2;
	[dreg:$0x4] =	wrdreg s4  }
0x20: {  	v0 =	vlaneseq.u32;
	s4 =	sadd.s32 s25, s0;
	[dreg:$0x8] =	wrdreg s29;
	s0 =	sadd.s32 s1, s0  }
0x21: {  	v1 =	vshrl.u32 v0, $0x3;
	s1 =	simm.s32 $0x1AA00;
	s25 =	simm.s32 $0x7;
	[dreg:$0x7] =	wrdreg s4  }
0x22: {  	vm0 =	vmmov $0xffff;
	v0 =	vand.u32 $0x7, v0;
	v1 =	vmul.u32 $0x8, v1;
	[dreg:$0x9] =	wrdreg s0;
	s0 =	simm.s32 $0x1A200;
	s4 =	simm.s32 $0x1B200  }
.LBB2_1:
0x23: {  	[dreg:$0x14] =	wrdreg s17  }
0x24: {  	s19 =	rddreg [dreg:$0xa]  }
0x25: {  	s29 =	simm.s32 $0x80;
	s30 =	simm.s32 $0x400;
	s17 =	simm.s32 $0x9  }
0x26: {  	[tilespmem:s2], [sflag:$0x9] =	stream.strided.gather [hbm4b:s19+s29], $0x200, s30, s29, $0x38;
	[tilespmem:$0x1C200] =	vst v63  }
0x27: {  	_ =	swait.ge [sflag:s17], $0x200  }
0x28: {  	[sflag:s17] =	ssyncset.done $0x0  }
0x29: {  	[sflag:s17] =	ssyncadd.s32 $0xFFFFFE00  }
0x2a: {  	v2 =	vld.msk [tilespmem:$0x0], $0xff;
	_ =	sdelay $0x4  }
0x2b: {  	v3 =	vshll.u32 v2, $0x4  }
0x2c: {  	v2 =	vand.u32 $0x7, v2;
	v3 =	vand.u32 $0xFFFFFF80, v3  }
0x2d: {  	v2 =	vor.u32 v2, v3  }
0x2e: {  	v2 =	vperm.xlane v2, v0;
	_ =	sdelay $0x1  }
0x2f: {  	v2 =	vadd.s32 v1, v2;
	_ =	sdelay $0x3  }
0x30: {  	s17 =	simm.s32 $0x200  }
0x31: {  	[tilespmem:s17], [sflag:$0x1] =	stream.indirect_vreg.gather [hbm4b:s3+s2], $0x80, v2, vm0, $0xb8;
	[tilespmem:$0x1C200] =	vst v63  }
0x32: {  	s30 =	simm.s32 $0xA00  }
0x33: {  	[tilespmem:s30], [sflag:$0x1] =	stream.indirect_vreg.gather [hbm4b:s5+s2], $0x80, v2, vm0, $0xb8;
	[tilespmem:$0x1C200] =	vst v63  }
0x34: {  	s30 =	simm.s32 $0x1200  }
0x35: {  	[tilespmem:s30], [sflag:$0x1] =	stream.indirect_vreg.gather [hbm4b:s6+s2], $0x80, v2, vm0, $0xb8;
	[tilespmem:$0x1C200] =	vst v63  }
0x36: {  	s30 =	simm.s32 $0x1A00  }
0x37: {  	[tilespmem:s30], [sflag:$0x1] =	stream.indirect_vreg.gather [hbm4b:s7+s2], $0x80, v2, vm0, $0xb8;
	[tilespmem:$0x1C200] =	vst v63  }
0x38: {  	s30 =	simm.s32 $0x2200  }
0x39: {  	[tilespmem:s30], [sflag:$0x1] =	stream.indirect_vreg.gather [hbm4b:s8+s2], $0x80, v2, vm0, $0xb8;
	[tilespmem:$0x1C200] =	vst v63  }
0x3a: {  	s30 =	simm.s32 $0x2A00  }
0x3b: {  	[tilespmem:s30], [sflag:$0x1] =	stream.indirect_vreg.gather [hbm4b:s9+s2], $0x80, v2, vm0, $0xb8;
	[tilespmem:$0x1C200] =	vst v63  }
0x3c: {  	s30 =	simm.s32 $0x3200  }
0x3d: {  	[tilespmem:s30], [sflag:$0x1] =	stream.indirect_vreg.gather [hbm4b:s10+s2], $0x80, v2, vm0, $0xb8;
	[tilespmem:$0x1C200] =	vst v63  }
0x3e: {  	s30 =	simm.s32 $0x3A00  }
0x3f: {  	[tilespmem:s30], [sflag:$0x1] =	stream.indirect_vreg.gather [hbm4b:s11+s2], $0x80, v2, vm0, $0xb8;
	[tilespmem:$0x1C200] =	vst v63  }
0x40: {  	v2 =	vld.msk [tilespmem:$0x8], $0xff;
	_ =	sdelay $0x4  }
0x41: {  	v3 =	vshll.u32 v2, $0x4  }
0x42: {  	v2 =	vand.u32 $0x7, v2;
	v3 =	vand.u32 $0xFFFFFF80, v3  }
0x43: {  	v2 =	vor.u32 v2, v3  }
0x44: {  	v2 =	vperm.xlane v2, v0;
	_ =	sdelay $0x1  }
0x45: {  	v2 =	vadd.s32 v1, v2;
	_ =	sdelay $0x4  }
0x46: {  	[tilespmem:s24], [sflag:$0x1] =	stream.indirect_vreg.gather [hbm4b:s3+s2], $0x80, v2, vm0, $0xb8;
	[tilespmem:$0x1C200] =	vst v63  }
0x47: {  	s24 =	simm.s32 $0x4A00  }
0x48: {  	[tilespmem:s24], [sflag:$0x1] =	stream.indirect_vreg.gather [hbm4b:s5+s2], $0x80, v2, vm0, $0xb8;
	[tilespmem:$0x1C200] =	vst v63  }
0x49: {  	s30 =	simm.s32 $0x5200  }
0x4a: {  	[tilespmem:s30], [sflag:$0x1] =	stream.indirect_vreg.gather [hbm4b:s6+s2], $0x80, v2, vm0, $0xb8;
	[tilespmem:$0x1C200] =	vst v63  }
0x4b: {  	s24 =	simm.s32 $0x5A00  }
0x4c: {  	[tilespmem:s24], [sflag:$0x1] =	stream.indirect_vreg.gather [hbm4b:s7+s2], $0x80, v2, vm0, $0xb8;
	[tilespmem:$0x1C200] =	vst v63  }
0x4d: {  	s30 =	simm.s32 $0x6200  }
0x4e: {  	[tilespmem:s30], [sflag:$0x1] =	stream.indirect_vreg.gather [hbm4b:s8+s2], $0x80, v2, vm0, $0xb8;
	[tilespmem:$0x1C200] =	vst v63  }
0x4f: {  	s24 =	simm.s32 $0x6A00  }
0x50: {  	[tilespmem:s24], [sflag:$0x1] =	stream.indirect_vreg.gather [hbm4b:s9+s2], $0x80, v2, vm0, $0xb8;
	[tilespmem:$0x1C200] =	vst v63  }
0x51: {  	s30 =	simm.s32 $0x7200  }
0x52: {  	[tilespmem:s30], [sflag:$0x1] =	stream.indirect_vreg.gather [hbm4b:s10+s2], $0x80, v2, vm0, $0xb8;
	[tilespmem:$0x1C200] =	vst v63  }
0x53: {  	s24 =	simm.s32 $0x7A00  }
0x54: {  	[tilespmem:s24], [sflag:$0x1] =	stream.indirect_vreg.gather [hbm4b:s11+s2], $0x80, v2, vm0, $0xb8;
	[tilespmem:$0x1C200] =	vst v63  }
0x55: {  	v2 =	vld.msk [tilespmem:$0x10], $0xff;
	_ =	sdelay $0x4  }
0x56: {  	v3 =	vshll.u32 v2, $0x4  }
0x57: {  	v2 =	vand.u32 $0x7, v2;
	v3 =	vand.u32 $0xFFFFFF80, v3  }
0x58: {  	v2 =	vor.u32 v2, v3  }
0x59: {  	v2 =	vperm.xlane v2, v0;
	_ =	sdelay $0x1  }
0x5a: {  	v2 =	vadd.s32 v1, v2;
	_ =	sdelay $0x4  }
0x5b: {  	[tilespmem:s20], [sflag:$0x1] =	stream.indirect_vreg.gather [hbm4b:s3+s2], $0x80, v2, vm0, $0xb8;
	[tilespmem:$0x1C200] =	vst v63  }
0x5c: {  	s30 =	simm.s32 $0x8A00  }
0x5d: {  	[tilespmem:s30], [sflag:$0x1] =	stream.indirect_vreg.gather [hbm4b:s5+s2], $0x80, v2, vm0, $0xb8;
	[tilespmem:$0x1C200] =	vst v63  }
0x5e: {  	s20 =	simm.s32 $0x9200  }
0x5f: {  	[tilespmem:s20], [sflag:$0x1] =	stream.indirect_vreg.gather [hbm4b:s6+s2], $0x80, v2, vm0, $0xb8;
	[tilespmem:$0x1C200] =	vst v63  }
0x60: {  	s24 =	simm.s32 $0x9A00  }
0x61: {  	[tilespmem:s24], [sflag:$0x1] =	stream.indirect_vreg.gather [hbm4b:s7+s2], $0x80, v2, vm0, $0xb8;
	[tilespmem:$0x1C200] =	vst v63  }
0x62: {  	s30 =	simm.s32 $0xA200  }
0x63: {  	[tilespmem:s30], [sflag:$0x1] =	stream.indirect_vreg.gather [hbm4b:s8+s2], $0x80, v2, vm0, $0xb8;
	[tilespmem:$0x1C200] =	vst v63  }
0x64: {  	s20 =	simm.s32 $0xAA00  }
0x65: {  	[tilespmem:s20], [sflag:$0x1] =	stream.indirect_vreg.gather [hbm4b:s9+s2], $0x80, v2, vm0, $0xb8;
	[tilespmem:$0x1C200] =	vst v63  }
0x66: {  	s24 =	simm.s32 $0xB200  }
0x67: {  	[tilespmem:s24], [sflag:$0x1] =	stream.indirect_vreg.gather [hbm4b:s10+s2], $0x80, v2, vm0, $0xb8;
	[tilespmem:$0x1C200] =	vst v63  }
0x68: {  	s30 =	simm.s32 $0xBA00  }
0x69: {  	[tilespmem:s30], [sflag:$0x1] =	stream.indirect_vreg.gather [hbm4b:s11+s2], $0x80, v2, vm0, $0xb8;
	[tilespmem:$0x1C200] =	vst v63  }
0x6a: {  	v2 =	vld.msk [tilespmem:$0x18], $0xff;
	_ =	sdelay $0x4  }
0x6b: {  	v3 =	vshll.u32 v2, $0x4  }
0x6c: {  	v2 =	vand.u32 $0x7, v2;
	v3 =	vand.u32 $0xFFFFFF80, v3  }
0x6d: {  	v2 =	vor.u32 v2, v3  }
0x6e: {  	v2 =	vperm.xlane v2, v0;
	_ =	sdelay $0x1  }
0x6f: {  	v2 =	vadd.s32 v1, v2;
	_ =	sdelay $0x4  }
0x70: {  	[tilespmem:s12], [sflag:$0x1] =	stream.indirect_vreg.gather [hbm4b:s3+s2], $0x80, v2, vm0, $0xb8;
	[tilespmem:$0x1C200] =	vst v63  }
0x71: {  	s20 =	simm.s32 $0xCA00  }
0x72: {  	[tilespmem:s20], [sflag:$0x1] =	stream.indirect_vreg.gather [hbm4b:s5+s2], $0x80, v2, vm0, $0xb8;
	[tilespmem:$0x1C200] =	vst v63  }
0x73: {  	s24 =	simm.s32 $0xD200  }
0x74: {  	[tilespmem:s24], [sflag:$0x1] =	stream.indirect_vreg.gather [hbm4b:s6+s2], $0x80, v2, vm0, $0xb8;
	[tilespmem:$0x1C200] =	vst v63  }
0x75: {  	s30 =	simm.s32 $0xDA00  }
0x76: {  	[tilespmem:s30], [sflag:$0x1] =	stream.indirect_vreg.gather [hbm4b:s7+s2], $0x80, v2, vm0, $0xb8;
	[tilespmem:$0x1C200] =	vst v63  }
0x77: {  	s19 =	simm.s32 $0xE200  }
0x78: {  	[tilespmem:s19], [sflag:$0x1] =	stream.indirect_vreg.gather [hbm4b:s8+s2], $0x80, v2, vm0, $0xb8;
	[tilespmem:$0x1C200] =	vst v63  }
0x79: {  	s20 =	simm.s32 $0xEA00  }
0x7a: {  	[tilespmem:s20], [sflag:$0x1] =	stream.indirect_vreg.gather [hbm4b:s9+s2], $0x80, v2, vm0, $0xb8;
	[tilespmem:$0x1C200] =	vst v63  }
0x7b: {  	s24 =	simm.s32 $0xF200  }
0x7c: {  	[tilespmem:s24], [sflag:$0x1] =	stream.indirect_vreg.gather [hbm4b:s10+s2], $0x80, v2, vm0, $0xb8;
	[tilespmem:$0x1C200] =	vst v63  }
0x7d: {  	s30 =	simm.s32 $0xFA00  }
0x7e: {  	[tilespmem:s30], [sflag:$0x1] =	stream.indirect_vreg.gather [hbm4b:s11+s2], $0x80, v2, vm0, $0xb8;
	[tilespmem:$0x1C200] =	vst v63  }
0x7f: {  	v2 =	vld.msk [tilespmem:$0x20], $0xff;
	_ =	sdelay $0x4  }
0x80: {  	v3 =	vshll.u32 v2, $0x4  }
0x81: {  	v2 =	vand.u32 $0x7, v2;
	v3 =	vand.u32 $0xFFFFFF80, v3  }
0x82: {  	v2 =	vor.u32 v2, v3  }
0x83: {  	v2 =	vperm.xlane v2, v0;
	_ =	sdelay $0x1  }
0x84: {  	v2 =	vadd.s32 v1, v2;
	_ =	sdelay $0x4  }
0x85: {  	[tilespmem:s18], [sflag:$0x1] =	stream.indirect_vreg.gather [hbm4b:s3+s2], $0x80, v2, vm0, $0xb8;
	[tilespmem:$0x1C200] =	vst v63  }
0x86: {  	s19 =	simm.s32 $0x10A00  }
0x87: {  	[tilespmem:s19], [sflag:$0x1] =	stream.indirect_vreg.gather [hbm4b:s5+s2], $0x80, v2, vm0, $0xb8;
	[tilespmem:$0x1C200] =	vst v63  }
0x88: {  	s20 =	simm.s32 $0x11200  }
0x89: {  	[tilespmem:s20], [sflag:$0x1] =	stream.indirect_vreg.gather [hbm4b:s6+s2], $0x80, v2, vm0, $0xb8;
	[tilespmem:$0x1C200] =	vst v63  }
0x8a: {  	s24 =	simm.s32 $0x11A00  }
0x8b: {  	[tilespmem:s24], [sflag:$0x1] =	stream.indirect_vreg.gather [hbm4b:s7+s2], $0x80, v2, vm0, $0xb8;
	[tilespmem:$0x1C200] =	vst v63  }
0x8c: {  	s30 =	simm.s32 $0x12200  }
0x8d: {  	[tilespmem:s30], [sflag:$0x1] =	stream.indirect_vreg.gather [hbm4b:s8+s2], $0x80, v2, vm0, $0xb8;
	[tilespmem:$0x1C200] =	vst v63  }
0x8e: {  	s18 =	simm.s32 $0x12A00  }
0x8f: {  	[tilespmem:s18], [sflag:$0x1] =	stream.indirect_vreg.gather [hbm4b:s9+s2], $0x80, v2, vm0, $0xb8;
	[tilespmem:$0x1C200] =	vst v63  }
0x90: {  	s19 =	simm.s32 $0x13200  }
0x91: {  	[tilespmem:s19], [sflag:$0x1] =	stream.indirect_vreg.gather [hbm4b:s10+s2], $0x80, v2, vm0, $0xb8;
	[tilespmem:$0x1C200] =	vst v63  }
0x92: {  	s20 =	simm.s32 $0x13A00  }
0x93: {  	[tilespmem:s20], [sflag:$0x1] =	stream.indirect_vreg.gather [hbm4b:s11+s2], $0x80, v2, vm0, $0xb8;
	[tilespmem:$0x1C200] =	vst v63  }
0x94: {  	v2 =	vld.msk [tilespmem:$0x28], $0xff;
	_ =	sdelay $0x4  }
0x95: {  	v3 =	vshll.u32 v2, $0x4  }
0x96: {  	v2 =	vand.u32 $0x7, v2;
	v3 =	vand.u32 $0xFFFFFF80, v3  }
0x97: {  	v2 =	vor.u32 v2, v3  }
0x98: {  	v2 =	vperm.xlane v2, v0;
	_ =	sdelay $0x1  }
0x99: {  	v2 =	vadd.s32 v1, v2;
	_ =	sdelay $0x4  }
0x9a: {  	[tilespmem:s23], [sflag:$0x1] =	stream.indirect_vreg.gather [hbm4b:s3+s2], $0x80, v2, vm0, $0xb8;
	[tilespmem:$0x1C200] =	vst v63  }
0x9b: {  	s24 =	simm.s32 $0x14A00  }
0x9c: {  	[tilespmem:s24], [sflag:$0x1] =	stream.indirect_vreg.gather [hbm4b:s5+s2], $0x80, v2, vm0, $0xb8;
	[tilespmem:$0x1C200] =	vst v63  }
0x9d: {  	s30 =	simm.s32 $0x15200  }
0x9e: {  	[tilespmem:s30], [sflag:$0x1] =	stream.indirect_vreg.gather [hbm4b:s6+s2], $0x80, v2, vm0, $0xb8;
	[tilespmem:$0x1C200] =	vst v63  }
0x9f: {  	s18 =	simm.s32 $0x15A00  }
0xa0: {  	[tilespmem:s18], [sflag:$0x1] =	stream.indirect_vreg.gather [hbm4b:s7+s2], $0x80, v2, vm0, $0xb8;
	[tilespmem:$0x1C200] =	vst v63  }
0xa1: {  	s19 =	simm.s32 $0x16200  }
0xa2: {  	[tilespmem:s19], [sflag:$0x1] =	stream.indirect_vreg.gather [hbm4b:s8+s2], $0x80, v2, vm0, $0xb8;
	[tilespmem:$0x1C200] =	vst v63  }
0xa3: {  	s20 =	simm.s32 $0x16A00  }
0xa4: {  	[tilespmem:s20], [sflag:$0x1] =	stream.indirect_vreg.gather [hbm4b:s9+s2], $0x80, v2, vm0, $0xb8;
	[tilespmem:$0x1C200] =	vst v63  }
0xa5: {  	_ = 	snop  }
0xa6: {  	[tilespmem:s31], [sflag:$0x1] =	stream.indirect_vreg.gather [hbm4b:s10+s2], $0x80, v2, vm0, $0xb8;
	[tilespmem:$0x1C200] =	vst v63  }
0xa7: {  	s23 =	simm.s32 $0x17A00  }
0xa8: {  	[tilespmem:s23], [sflag:$0x1] =	stream.indirect_vreg.gather [hbm4b:s11+s2], $0x80, v2, vm0, $0xb8;
	[tilespmem:$0x1C200] =	vst v63  }
0xa9: {  	_ =	swait.ge [sflag:s26], $0x4000  }
0xaa: {  	[sflag:s26] =	ssyncset.done $0x0  }
0xab: {  	s24 =	rddreg [dreg:$0xb];
	[sflag:s26] =	ssyncadd.s32 $0xFFFFC000  }
0xac: {  	[hbm4b:s24+s2] =	stream.linear.scatter [tilespmem:s17], [sflag:$0x2], $0x4000, $0x38;
	[tilespmem:$0x1C200] =	vst v63  }
0xad: {  	v2 =	vld.msk [tilespmem:$0x30], $0xff;
	_ =	sdelay $0x4  }
0xae: {  	v3 =	vshll.u32 v2, $0x4  }
0xaf: {  	v2 =	vand.u32 $0x7, v2;
	v3 =	vand.u32 $0xFFFFFF80, v3  }
0xb0: {  	v2 =	vor.u32 v2, v3  }
0xb1: {  	v2 =	vperm.xlane v2, v0;
	_ =	sdelay $0x1  }
0xb2: {  	v2 =	vadd.s32 v1, v2;
	_ =	sdelay $0x4  }
0xb3: {  	[tilespmem:s28], [sflag:$0x1] =	stream.indirect_vreg.gather [hbm4b:s3+s2], $0x80, v2, vm0, $0xb8;
	[tilespmem:$0x1C200] =	vst v63  }
0xb4: {  	s28 =	simm.s32 $0x18A00  }
0xb5: {  	[tilespmem:s28], [sflag:$0x1] =	stream.indirect_vreg.gather [hbm4b:s5+s2], $0x80, v2, vm0, $0xb8;
	[tilespmem:$0x1C200] =	vst v63  }
0xb6: {  	s30 =	simm.s32 $0x19200  }
0xb7: {  	[tilespmem:s30], [sflag:$0x1] =	stream.indirect_vreg.gather [hbm4b:s6+s2], $0x80, v2, vm0, $0xb8;
	[tilespmem:$0x1C200] =	vst v63  }
0xb8: {  	s31 =	simm.s32 $0x19A00  }
0xb9: {  	[tilespmem:s31], [sflag:$0x1] =	stream.indirect_vreg.gather [hbm4b:s7+s2], $0x80, v2, vm0, $0xb8;
	[tilespmem:$0x1C200] =	vst v63  }
0xba: {  	_ = 	snop  }
0xbb: {  	[tilespmem:s0], [sflag:$0x1] =	stream.indirect_vreg.gather [hbm4b:s8+s2], $0x80, v2, vm0, $0xb8;
	[tilespmem:$0x1C200] =	vst v63  }
0xbc: {  	_ = 	snop  }
0xbd: {  	[tilespmem:s1], [sflag:$0x1] =	stream.indirect_vreg.gather [hbm4b:s9+s2], $0x80, v2, vm0, $0xb8;
	[tilespmem:$0x1C200] =	vst v63  }
0xbe: {  	s29 =	simm.s32 $0x68  }
0xbf: {  	[tilespmem:s4], [sflag:$0x1] =	stream.indirect_vreg.gather [hbm4b:s10+s2], $0x80, v2, vm0, $0xb8;
	[tilespmem:$0x1C200] =	vst v63  }
0xc0: {  	s19 =	simm.s32 $0x0;
	s1 =	simm.s32 $0x1BA00;
	s4 =	simm.s32 $0x1B200  }
0xc1: {  	[tilespmem:s1], [sflag:$0x1] =	stream.indirect_vreg.gather [hbm4b:s11+s2], $0x80, v2, vm0, $0xb8;
	[tilespmem:$0x1C200] =	vst v63  }
.LBB2_2:
0xc2: {  	_ =	swait.ge [sflag:s26], $0x4000  }
0xc3: {  	s30 =	rddreg [dreg:$0x3];
	[sflag:s26] =	ssyncset.done $0x0  }
0xc4: {  	s20 =	simm.s32 $0x4200;
	[sflag:s26] =	ssyncadd.s32 $0xFFFFC000;
	s30 =	sadd.s32 s19, s30  }
0xc5: {  	[hbm4b:s30+s2] =	stream.linear.scatter [tilespmem:s20], [sflag:$0x3], $0x4000, $0x38;
	[tilespmem:$0x1C200] =	vst v63  }
0xc6: {  	_ =	swait.ge [sflag:s21], $0x4000  }
0xc7: {  	[sflag:s21] =	ssyncset.done $0x0  }
0xc8: {  	[sflag:s21] =	ssyncadd.s32 $0xFFFFC000  }
0xc9: {  	v2 =	vld.msk [tilespmem:s29+$0xFFFFFFD0], $0xff;
	_ =	sdelay $0x4  }
0xca: {  	v3 =	vshll.u32 v2, $0x4  }
0xcb: {  	v2 =	vand.u32 $0x7, v2;
	v3 =	vand.u32 $0xFFFFFF80, v3  }
0xcc: {  	v2 =	vor.u32 v2, v3  }
0xcd: {  	v2 =	vperm.xlane v2, v0;
	_ =	sdelay $0x1  }
0xce: {  	v2 =	vadd.s32 v1, v2;
	_ =	sdelay $0x3  }
0xcf: {  	s17 =	simm.s32 $0x200  }
0xd0: {  	[tilespmem:s17], [sflag:$0x1] =	stream.indirect_vreg.gather [hbm4b:s3+s2], $0x80, v2, vm0, $0xb8;
	[tilespmem:$0x1C200] =	vst v63  }
0xd1: {  	s18 =	simm.s32 $0xA00  }
0xd2: {  	[tilespmem:s18], [sflag:$0x1] =	stream.indirect_vreg.gather [hbm4b:s5+s2], $0x80, v2, vm0, $0xb8;
	[tilespmem:$0x1C200] =	vst v63  }
0xd3: {  	s23 =	simm.s32 $0x1200  }
0xd4: {  	[tilespmem:s23], [sflag:$0x1] =	stream.indirect_vreg.gather [hbm4b:s6+s2], $0x80, v2, vm0, $0xb8;
	[tilespmem:$0x1C200] =	vst v63  }
0xd5: {  	s24 =	simm.s32 $0x1A00  }
0xd6: {  	[tilespmem:s24], [sflag:$0x1] =	stream.indirect_vreg.gather [hbm4b:s7+s2], $0x80, v2, vm0, $0xb8;
	[tilespmem:$0x1C200] =	vst v63  }
0xd7: {  	s0 =	simm.s32 $0x2200  }
0xd8: {  	[tilespmem:s0], [sflag:$0x1] =	stream.indirect_vreg.gather [hbm4b:s8+s2], $0x80, v2, vm0, $0xb8;
	[tilespmem:$0x1C200] =	vst v63  }
0xd9: {  	s12 =	simm.s32 $0x2A00  }
0xda: {  	[tilespmem:s12], [sflag:$0x1] =	stream.indirect_vreg.gather [hbm4b:s9+s2], $0x80, v2, vm0, $0xb8;
	[tilespmem:$0x1C200] =	vst v63  }
0xdb: {  	s18 =	simm.s32 $0x3200  }
0xdc: {  	[tilespmem:s18], [sflag:$0x1] =	stream.indirect_vreg.gather [hbm4b:s10+s2], $0x80, v2, vm0, $0xb8;
	[tilespmem:$0x1C200] =	vst v63  }
0xdd: {  	s23 =	simm.s32 $0x3A00  }
0xde: {  	[tilespmem:s23], [sflag:$0x1] =	stream.indirect_vreg.gather [hbm4b:s11+s2], $0x80, v2, vm0, $0xb8;
	[tilespmem:$0x1C200] =	vst v63  }
0xdf: {  	_ =	swait.ge [sflag:s26], $0x4000  }
0xe0: {  	s24 =	rddreg [dreg:$0x4];
	[sflag:s26] =	ssyncset.done $0x0  }
0xe1: {  	s31 =	simm.s32 $0x8200;
	[sflag:s26] =	ssyncadd.s32 $0xFFFFC000;
	s30 =	sadd.s32 s19, s24  }
0xe2: {  	[hbm4b:s30+s2] =	stream.linear.scatter [tilespmem:s31], [sflag:$0x4], $0x4000, $0x38;
	[tilespmem:$0x1C200] =	vst v63  }
0xe3: {  	_ =	swait.ge [sflag:s22], $0x4000  }
0xe4: {  	[sflag:s22] =	ssyncset.done $0x0  }
0xe5: {  	[sflag:s22] =	ssyncadd.s32 $0xFFFFC000  }
0xe6: {  	v2 =	vld.msk [tilespmem:s29+$0xFFFFFFD8], $0xff;
	_ =	sdelay $0x4  }
0xe7: {  	v3 =	vshll.u32 v2, $0x4  }
0xe8: {  	v2 =	vand.u32 $0x7, v2;
	v3 =	vand.u32 $0xFFFFFF80, v3  }
0xe9: {  	v2 =	vor.u32 v2, v3  }
0xea: {  	v2 =	vperm.xlane v2, v0;
	_ =	sdelay $0x1  }
0xeb: {  	v2 =	vadd.s32 v1, v2;
	_ =	sdelay $0x4  }
0xec: {  	[tilespmem:s20], [sflag:$0x1] =	stream.indirect_vreg.gather [hbm4b:s3+s2], $0x80, v2, vm0, $0xb8;
	[tilespmem:$0x1C200] =	vst v63  }
0xed: {  	s0 =	simm.s32 $0x4A00  }
0xee: {  	[tilespmem:s0], [sflag:$0x1] =	stream.indirect_vreg.gather [hbm4b:s5+s2], $0x80, v2, vm0, $0xb8;
	[tilespmem:$0x1C200] =	vst v63  }
0xef: {  	s30 =	simm.s32 $0x5200  }
0xf0: {  	[tilespmem:s30], [sflag:$0x1] =	stream.indirect_vreg.gather [hbm4b:s6+s2], $0x80, v2, vm0, $0xb8;
	[tilespmem:$0x1C200] =	vst v63  }
0xf1: {  	s12 =	simm.s32 $0x5A00  }
0xf2: {  	[tilespmem:s12], [sflag:$0x1] =	stream.indirect_vreg.gather [hbm4b:s7+s2], $0x80, v2, vm0, $0xb8;
	[tilespmem:$0x1C200] =	vst v63  }
0xf3: {  	s18 =	simm.s32 $0x6200  }
0xf4: {  	[tilespmem:s18], [sflag:$0x1] =	stream.indirect_vreg.gather [hbm4b:s8+s2], $0x80, v2, vm0, $0xb8;
	[tilespmem:$0x1C200] =	vst v63  }
0xf5: {  	s20 =	simm.s32 $0x6A00  }
0xf6: {  	[tilespmem:s20], [sflag:$0x1] =	stream.indirect_vreg.gather [hbm4b:s9+s2], $0x80, v2, vm0, $0xb8;
	[tilespmem:$0x1C200] =	vst v63  }
0xf7: {  	s23 =	simm.s32 $0x7200  }
0xf8: {  	[tilespmem:s23], [sflag:$0x1] =	stream.indirect_vreg.gather [hbm4b:s10+s2], $0x80, v2, vm0, $0xb8;
	[tilespmem:$0x1C200] =	vst v63  }
0xf9: {  	s30 =	simm.s32 $0x7A00  }
0xfa: {  	[tilespmem:s30], [sflag:$0x1] =	stream.indirect_vreg.gather [hbm4b:s11+s2], $0x80, v2, vm0, $0xb8;
	[tilespmem:$0x1C200] =	vst v63  }
0xfb: {  	_ =	swait.ge [sflag:s26], $0x4000  }
0xfc: {  	s0 =	rddreg [dreg:$0x5];
	[sflag:s26] =	ssyncset.done $0x0  }
0xfd: {  	s18 =	simm.s32 $0xC200;
	[sflag:s26] =	ssyncadd.s32 $0xFFFFC000;
	s30 =	sadd.s32 s19, s0  }
0xfe: {  	[hbm4b:s30+s2] =	stream.linear.scatter [tilespmem:s18], [sflag:$0x5], $0x4000, $0x38;
	[tilespmem:$0x1C200] =	vst v63  }
0xff: {  	_ =	swait.ge [sflag:s13], $0x4000  }
0x100: {  	[sflag:s13] =	ssyncset.done $0x0  }
0x101: {  	[sflag:s13] =	ssyncadd.s32 $0xFFFFC000  }
0x102: {  	v2 =	vld.msk [tilespmem:s29+$0xFFFFFFE0], $0xff;
	_ =	sdelay $0x4  }
0x103: {  	v3 =	vshll.u32 v2, $0x4  }
0x104: {  	v2 =	vand.u32 $0x7, v2;
	v3 =	vand.u32 $0xFFFFFF80, v3  }
0x105: {  	v2 =	vor.u32 v2, v3  }
0x106: {  	v2 =	vperm.xlane v2, v0;
	_ =	sdelay $0x1  }
0x107: {  	v2 =	vadd.s32 v1, v2;
	_ =	sdelay $0x4  }
0x108: {  	[tilespmem:s31], [sflag:$0x1] =	stream.indirect_vreg.gather [hbm4b:s3+s2], $0x80, v2, vm0, $0xb8;
	[tilespmem:$0x1C200] =	vst v63  }
0x109: {  	s12 =	simm.s32 $0x8A00  }
0x10a: {  	[tilespmem:s12], [sflag:$0x1] =	stream.indirect_vreg.gather [hbm4b:s5+s2], $0x80, v2, vm0, $0xb8;
	[tilespmem:$0x1C200] =	vst v63  }
0x10b: {  	s23 =	simm.s32 $0x9200  }
0x10c: {  	[tilespmem:s23], [sflag:$0x1] =	stream.indirect_vreg.gather [hbm4b:s6+s2], $0x80, v2, vm0, $0xb8;
	[tilespmem:$0x1C200] =	vst v63  }
0x10d: {  	s30 =	simm.s32 $0x9A00  }
0x10e: {  	[tilespmem:s30], [sflag:$0x1] =	stream.indirect_vreg.gather [hbm4b:s7+s2], $0x80, v2, vm0, $0xb8;
	[tilespmem:$0x1C200] =	vst v63  }
0x10f: {  	s12 =	simm.s32 $0xA200  }
0x110: {  	[tilespmem:s12], [sflag:$0x1] =	stream.indirect_vreg.gather [hbm4b:s8+s2], $0x80, v2, vm0, $0xb8;
	[tilespmem:$0x1C200] =	vst v63  }
0x111: {  	s23 =	simm.s32 $0xAA00  }
0x112: {  	[tilespmem:s23], [sflag:$0x1] =	stream.indirect_vreg.gather [hbm4b:s9+s2], $0x80, v2, vm0, $0xb8;
	[tilespmem:$0x1C200] =	vst v63  }
0x113: {  	s30 =	simm.s32 $0xB200  }
0x114: {  	[tilespmem:s30], [sflag:$0x1] =	stream.indirect_vreg.gather [hbm4b:s10+s2], $0x80, v2, vm0, $0xb8;
	[tilespmem:$0x1C200] =	vst v63  }
0x115: {  	s12 =	simm.s32 $0xBA00  }
0x116: {  	[tilespmem:s12], [sflag:$0x1] =	stream.indirect_vreg.gather [hbm4b:s11+s2], $0x80, v2, vm0, $0xb8;
	[tilespmem:$0x1C200] =	vst v63  }
0x117: {  	_ =	swait.ge [sflag:s26], $0x4000  }
0x118: {  	s23 =	rddreg [dreg:$0x6];
	[sflag:s26] =	ssyncset.done $0x0  }
0x119: {  	[sflag:s26] =	ssyncadd.s32 $0xFFFFC000;
	s30 =	sadd.s32 s19, s23;
	s23 =	simm.s32 $0x10200  }
0x11a: {  	[hbm4b:s30+s2] =	stream.linear.scatter [tilespmem:s23], [sflag:$0x6], $0x4000, $0x38;
	[tilespmem:$0x1C200] =	vst v63  }
0x11b: {  	_ =	swait.ge [sflag:s14], $0x4000  }
0x11c: {  	[sflag:s14] =	ssyncset.done $0x0  }
0x11d: {  	[sflag:s14] =	ssyncadd.s32 $0xFFFFC000  }
0x11e: {  	v2 =	vld.msk [tilespmem:s29+$0xFFFFFFE8], $0xff;
	_ =	sdelay $0x4  }
0x11f: {  	v3 =	vshll.u32 v2, $0x4  }
0x120: {  	v2 =	vand.u32 $0x7, v2;
	v3 =	vand.u32 $0xFFFFFF80, v3  }
0x121: {  	v2 =	vor.u32 v2, v3  }
0x122: {  	v2 =	vperm.xlane v2, v0;
	_ =	sdelay $0x1  }
0x123: {  	v2 =	vadd.s32 v1, v2;
	_ =	sdelay $0x4  }
0x124: {  	[tilespmem:s18], [sflag:$0x1] =	stream.indirect_vreg.gather [hbm4b:s3+s2], $0x80, v2, vm0, $0xb8;
	[tilespmem:$0x1C200] =	vst v63  }
0x125: {  	s30 =	simm.s32 $0xCA00  }
0x126: {  	[tilespmem:s30], [sflag:$0x1] =	stream.indirect_vreg.gather [hbm4b:s5+s2], $0x80, v2, vm0, $0xb8;
	[tilespmem:$0x1C200] =	vst v63  }
0x127: {  	s18 =	simm.s32 $0xD200  }
0x128: {  	[tilespmem:s18], [sflag:$0x1] =	stream.indirect_vreg.gather [hbm4b:s6+s2], $0x80, v2, vm0, $0xb8;
	[tilespmem:$0x1C200] =	vst v63  }
0x129: {  	s30 =	simm.s32 $0xDA00  }
0x12a: {  	[tilespmem:s30], [sflag:$0x1] =	stream.indirect_vreg.gather [hbm4b:s7+s2], $0x80, v2, vm0, $0xb8;
	[tilespmem:$0x1C200] =	vst v63  }
0x12b: {  	s18 =	simm.s32 $0xE200  }
0x12c: {  	[tilespmem:s18], [sflag:$0x1] =	stream.indirect_vreg.gather [hbm4b:s8+s2], $0x80, v2, vm0, $0xb8;
	[tilespmem:$0x1C200] =	vst v63  }
0x12d: {  	s30 =	simm.s32 $0xEA00  }
0x12e: {  	[tilespmem:s30], [sflag:$0x1] =	stream.indirect_vreg.gather [hbm4b:s9+s2], $0x80, v2, vm0, $0xb8;
	[tilespmem:$0x1C200] =	vst v63  }
0x12f: {  	s18 =	simm.s32 $0xF200  }
0x130: {  	[tilespmem:s18], [sflag:$0x1] =	stream.indirect_vreg.gather [hbm4b:s10+s2], $0x80, v2, vm0, $0xb8;
	[tilespmem:$0x1C200] =	vst v63  }
0x131: {  	s30 =	simm.s32 $0xFA00  }
0x132: {  	[tilespmem:s30], [sflag:$0x1] =	stream.indirect_vreg.gather [hbm4b:s11+s2], $0x80, v2, vm0, $0xb8;
	[tilespmem:$0x1C200] =	vst v63  }
0x133: {  	_ =	swait.ge [sflag:s26], $0x4000  }
0x134: {  	s18 =	rddreg [dreg:$0x7];
	[sflag:s26] =	ssyncset.done $0x0  }
0x135: {  	s28 =	simm.s32 $0x14200;
	[sflag:s26] =	ssyncadd.s32 $0xFFFFC000;
	s30 =	sadd.s32 s19, s18  }
0x136: {  	[hbm4b:s30+s2] =	stream.linear.scatter [tilespmem:s28], [sflag:$0x7], $0x4000, $0x38;
	[tilespmem:$0x1C200] =	vst v63  }
0x137: {  	_ =	swait.ge [sflag:s15], $0x4000  }
0x138: {  	[sflag:s15] =	ssyncset.done $0x0  }
0x139: {  	[sflag:s15] =	ssyncadd.s32 $0xFFFFC000  }
0x13a: {  	v2 =	vld.msk [tilespmem:s29+$0xFFFFFFF0], $0xff;
	_ =	sdelay $0x4  }
0x13b: {  	v3 =	vshll.u32 v2, $0x4  }
0x13c: {  	v2 =	vand.u32 $0x7, v2;
	v3 =	vand.u32 $0xFFFFFF80, v3  }
0x13d: {  	v2 =	vor.u32 v2, v3  }
0x13e: {  	v2 =	vperm.xlane v2, v0;
	_ =	sdelay $0x1  }
0x13f: {  	v2 =	vadd.s32 v1, v2;
	_ =	sdelay $0x4  }
0x140: {  	[tilespmem:s23], [sflag:$0x1] =	stream.indirect_vreg.gather [hbm4b:s3+s2], $0x80, v2, vm0, $0xb8;
	[tilespmem:$0x1C200] =	vst v63  }
0x141: {  	s30 =	simm.s32 $0x10A00  }
0x142: {  	[tilespmem:s30], [sflag:$0x1] =	stream.indirect_vreg.gather [hbm4b:s5+s2], $0x80, v2, vm0, $0xb8;
	[tilespmem:$0x1C200] =	vst v63  }
0x143: {  	s23 =	simm.s32 $0x11200  }
0x144: {  	[tilespmem:s23], [sflag:$0x1] =	stream.indirect_vreg.gather [hbm4b:s6+s2], $0x80, v2, vm0, $0xb8;
	[tilespmem:$0x1C200] =	vst v63  }
0x145: {  	s30 =	simm.s32 $0x11A00  }
0x146: {  	[tilespmem:s30], [sflag:$0x1] =	stream.indirect_vreg.gather [hbm4b:s7+s2], $0x80, v2, vm0, $0xb8;
	[tilespmem:$0x1C200] =	vst v63  }
0x147: {  	s23 =	simm.s32 $0x12200  }
0x148: {  	[tilespmem:s23], [sflag:$0x1] =	stream.indirect_vreg.gather [hbm4b:s8+s2], $0x80, v2, vm0, $0xb8;
	[tilespmem:$0x1C200] =	vst v63  }
0x149: {  	s30 =	simm.s32 $0x12A00  }
0x14a: {  	[tilespmem:s30], [sflag:$0x1] =	stream.indirect_vreg.gather [hbm4b:s9+s2], $0x80, v2, vm0, $0xb8;
	[tilespmem:$0x1C200] =	vst v63  }
0x14b: {  	s23 =	simm.s32 $0x13200  }
0x14c: {  	[tilespmem:s23], [sflag:$0x1] =	stream.indirect_vreg.gather [hbm4b:s10+s2], $0x80, v2, vm0, $0xb8;
	[tilespmem:$0x1C200] =	vst v63  }
0x14d: {  	s30 =	simm.s32 $0x13A00  }
0x14e: {  	[tilespmem:s30], [sflag:$0x1] =	stream.indirect_vreg.gather [hbm4b:s11+s2], $0x80, v2, vm0, $0xb8;
	[tilespmem:$0x1C200] =	vst v63  }
0x14f: {  	_ =	swait.ge [sflag:s26], $0x4000  }
0x150: {  	s23 =	rddreg [dreg:$0x8];
	[sflag:s26] =	ssyncset.done $0x0  }
0x151: {  	s0 =	simm.s32 $0x18200;
	[sflag:s26] =	ssyncadd.s32 $0xFFFFC000;
	s30 =	sadd.s32 s19, s23  }
0x152: {  	[hbm4b:s30+s2] =	stream.linear.scatter [tilespmem:s0], [sflag:$0x8], $0x4000, $0x38;
	[tilespmem:$0x1C200] =	vst v63  }
0x153: {  	_ =	swait.ge [sflag:s25], $0x4000  }
0x154: {  	[sflag:s25] =	ssyncset.done $0x0  }
0x155: {  	[sflag:s25] =	ssyncadd.s32 $0xFFFFC000  }
0x156: {  	v2 =	vld.msk [tilespmem:s29+$0xFFFFFFF8], $0xff;
	_ =	sdelay $0x4  }
0x157: {  	v3 =	vshll.u32 v2, $0x4  }
0x158: {  	v2 =	vand.u32 $0x7, v2;
	v3 =	vand.u32 $0xFFFFFF80, v3  }
0x159: {  	v2 =	vor.u32 v2, v3  }
0x15a: {  	v2 =	vperm.xlane v2, v0;
	_ =	sdelay $0x1  }
0x15b: {  	v2 =	vadd.s32 v1, v2;
	_ =	sdelay $0x4  }
0x15c: {  	[tilespmem:s28], [sflag:$0x1] =	stream.indirect_vreg.gather [hbm4b:s3+s2], $0x80, v2, vm0, $0xb8;
	[tilespmem:$0x1C200] =	vst v63  }
0x15d: {  	s28 =	simm.s32 $0x14A00  }
0x15e: {  	[tilespmem:s28], [sflag:$0x1] =	stream.indirect_vreg.gather [hbm4b:s5+s2], $0x80, v2, vm0, $0xb8;
	[tilespmem:$0x1C200] =	vst v63  }
0x15f: {  	s28 =	simm.s32 $0x15200  }
0x160: {  	[tilespmem:s28], [sflag:$0x1] =	stream.indirect_vreg.gather [hbm4b:s6+s2], $0x80, v2, vm0, $0xb8;
	[tilespmem:$0x1C200] =	vst v63  }
0x161: {  	s28 =	simm.s32 $0x15A00  }
0x162: {  	[tilespmem:s28], [sflag:$0x1] =	stream.indirect_vreg.gather [hbm4b:s7+s2], $0x80, v2, vm0, $0xb8;
	[tilespmem:$0x1C200] =	vst v63  }
0x163: {  	s28 =	simm.s32 $0x16200  }
0x164: {  	[tilespmem:s28], [sflag:$0x1] =	stream.indirect_vreg.gather [hbm4b:s8+s2], $0x80, v2, vm0, $0xb8;
	[tilespmem:$0x1C200] =	vst v63  }
0x165: {  	s28 =	simm.s32 $0x16A00  }
0x166: {  	[tilespmem:s28], [sflag:$0x1] =	stream.indirect_vreg.gather [hbm4b:s9+s2], $0x80, v2, vm0, $0xb8;
	[tilespmem:$0x1C200] =	vst v63  }
0x167: {  	s31 =	simm.s32 $0x17200  }
0x168: {  	[tilespmem:s31], [sflag:$0x1] =	stream.indirect_vreg.gather [hbm4b:s10+s2], $0x80, v2, vm0, $0xb8;
	[tilespmem:$0x1C200] =	vst v63  }
0x169: {  	s28 =	simm.s32 $0x17A00  }
0x16a: {  	[tilespmem:s28], [sflag:$0x1] =	stream.indirect_vreg.gather [hbm4b:s11+s2], $0x80, v2, vm0, $0xb8;
	[tilespmem:$0x1C200] =	vst v63  }
0x16b: {  	_ =	swait.ge [sflag:s26], $0x4000  }
0x16c: {  	s30 =	rddreg [dreg:$0x9];
	[sflag:s26] =	ssyncset.done $0x0  }
0x16d: {  	[sflag:s26] =	ssyncadd.s32 $0xFFFFC000;
	s30 =	sadd.s32 s19, s30  }
0x16e: {  	[hbm4b:s30+s2] =	stream.linear.scatter [tilespmem:s17], [sflag:$0x2], $0x4000, $0x38;
	[tilespmem:$0x1C200] =	vst v63  }
0x16f: {  	_ =	swait.ge [sflag:s16], $0x4000  }
0x170: {  	[sflag:s16] =	ssyncset.done $0x0  }
0x171: {  	[sflag:s16] =	ssyncadd.s32 $0xFFFFC000  }
0x172: {  	v2 =	vld.msk [tilespmem:s29+$0x0], $0xff;
	_ =	sdelay $0x4  }
0x173: {  	v3 =	vshll.u32 v2, $0x4  }
0x174: {  	v2 =	vand.u32 $0x7, v2;
	v3 =	vand.u32 $0xFFFFFF80, v3  }
0x175: {  	v2 =	vor.u32 v2, v3  }
0x176: {  	v2 =	vperm.xlane v2, v0;
	_ =	sdelay $0x1  }
0x177: {  	v2 =	vadd.s32 v1, v2;
	_ =	sdelay $0x4  }
0x178: {  	[tilespmem:s0], [sflag:$0x1] =	stream.indirect_vreg.gather [hbm4b:s3+s2], $0x80, v2, vm0, $0xb8;
	[tilespmem:$0x1C200] =	vst v63  }
0x179: {  	s30 =	simm.s32 $0x18A00  }
0x17a: {  	[tilespmem:s30], [sflag:$0x1] =	stream.indirect_vreg.gather [hbm4b:s5+s2], $0x80, v2, vm0, $0xb8;
	[tilespmem:$0x1C200] =	vst v63  }
0x17b: {  	s17 =	simm.s32 $0x19200  }
0x17c: {  	[tilespmem:s17], [sflag:$0x1] =	stream.indirect_vreg.gather [hbm4b:s6+s2], $0x80, v2, vm0, $0xb8;
	[tilespmem:$0x1C200] =	vst v63  }
0x17d: {  	s30 =	simm.s32 $0x19A00  }
0x17e: {  	[tilespmem:s30], [sflag:$0x1] =	stream.indirect_vreg.gather [hbm4b:s7+s2], $0x80, v2, vm0, $0xb8;
	[tilespmem:$0x1C200] =	vst v63  }
0x17f: {  	s17 =	simm.s32 $0x1A200  }
0x180: {  	[tilespmem:s17], [sflag:$0x1] =	stream.indirect_vreg.gather [hbm4b:s8+s2], $0x80, v2, vm0, $0xb8;
	[tilespmem:$0x1C200] =	vst v63  }
0x181: {  	p0 =	sne.s32 s19, $0x18800;
	s30 =	simm.s32 $0x1AA00  }
0x182: {  	[tilespmem:s30], [sflag:$0x1] =	stream.indirect_vreg.gather [hbm4b:s9+s2], $0x80, v2, vm0, $0xb8;
	[tilespmem:$0x1C200] =	vst v63  }
.Ltmp0:
0x183: {  	s24 =	simm.s32 $0x4200;
	s20 =	simm.s32 $0x8200;
	(pc) =	sbr.rel @p0 .LBB2_2-.Ltmp0, $4  }
0x184: {  	s12 =	simm.s32 $0xC200;
	s18 =	simm.s32 $0x10200;
	s23 =	simm.s32 $0x14200  }
0x185: {  	[tilespmem:s4], [sflag:$0x1] =	stream.indirect_vreg.gather [hbm4b:s10+s2], $0x80, v2, vm0, $0xb8;
	[tilespmem:$0x1C200] =	vst v63  }
0x186: {  	s28 =	simm.s32 $0x18200;
	s19 =	sadd.s32 $0x3800, s19;
	s29 =	sadd.s32 $0x38, s29  }
0x187: {  	[tilespmem:s1], [sflag:$0x1] =	stream.indirect_vreg.gather [hbm4b:s11+s2], $0x80, v2, vm0, $0xb8;
	[tilespmem:$0x1C200] =	vst v63  }
0x188: {  	_ =	swait.ge [sflag:s26], $0x4000  }
0x189: {  	[sflag:s26] =	ssyncset.done $0x0  }
0x18a: {  	s19 =	rddreg [dreg:$0xc];
	[sflag:s26] =	ssyncadd.s32 $0xFFFFC000  }
0x18b: {  	[hbm4b:s19+s2] =	stream.linear.scatter [tilespmem:s24], [sflag:$0x3], $0x4000, $0x38;
	[tilespmem:$0x1C200] =	vst v63  }
0x18c: {  	_ =	swait.ge [sflag:s21], $0x4000  }
0x18d: {  	[sflag:s21] =	ssyncset.done $0x0  }
0x18e: {  	[sflag:s21] =	ssyncadd.s32 $0xFFFFC000  }
0x18f: {  	v2 =	vld.msk [tilespmem:$0x1F8], $0xff;
	_ =	sdelay $0x4  }
0x190: {  	v3 =	vshll.u32 v2, $0x4  }
0x191: {  	v2 =	vand.u32 $0x7, v2;
	v3 =	vand.u32 $0xFFFFFF80, v3  }
0x192: {  	v2 =	vor.u32 v2, v3  }
0x193: {  	v2 =	vperm.xlane v2, v0;
	_ =	sdelay $0x1  }
0x194: {  	v2 =	vadd.s32 v1, v2;
	_ =	sdelay $0x3  }
0x195: {  	s0 =	simm.s32 $0x200  }
0x196: {  	[tilespmem:s0], [sflag:$0x1] =	stream.indirect_vreg.gather [hbm4b:s3+s2], $0x80, v2, vm0, $0xb8;
	[tilespmem:$0x1C200] =	vst v63  }
0x197: {  	s4 =	simm.s32 $0xA00  }
0x198: {  	[tilespmem:s4], [sflag:$0x1] =	stream.indirect_vreg.gather [hbm4b:s5+s2], $0x80, v2, vm0, $0xb8;
	[tilespmem:$0x1C200] =	vst v63  }
0x199: {  	s17 =	simm.s32 $0x1200  }
0x19a: {  	[tilespmem:s17], [sflag:$0x1] =	stream.indirect_vreg.gather [hbm4b:s6+s2], $0x80, v2, vm0, $0xb8;
	[tilespmem:$0x1C200] =	vst v63  }
0x19b: {  	s29 =	simm.s32 $0x1A00  }
0x19c: {  	[tilespmem:s29], [sflag:$0x1] =	stream.indirect_vreg.gather [hbm4b:s7+s2], $0x80, v2, vm0, $0xb8;
	[tilespmem:$0x1C200] =	vst v63  }
0x19d: {  	s30 =	simm.s32 $0x2200  }
0x19e: {  	[tilespmem:s30], [sflag:$0x1] =	stream.indirect_vreg.gather [hbm4b:s8+s2], $0x80, v2, vm0, $0xb8;
	[tilespmem:$0x1C200] =	vst v63  }
0x19f: {  	s1 =	simm.s32 $0x2A00  }
0x1a0: {  	[tilespmem:s1], [sflag:$0x1] =	stream.indirect_vreg.gather [hbm4b:s9+s2], $0x80, v2, vm0, $0xb8;
	[tilespmem:$0x1C200] =	vst v63  }
0x1a1: {  	s4 =	simm.s32 $0x3200  }
0x1a2: {  	[tilespmem:s4], [sflag:$0x1] =	stream.indirect_vreg.gather [hbm4b:s10+s2], $0x80, v2, vm0, $0xb8;
	[tilespmem:$0x1C200] =	vst v63  }
0x1a3: {  	s17 =	simm.s32 $0x3A00  }
0x1a4: {  	[tilespmem:s17], [sflag:$0x1] =	stream.indirect_vreg.gather [hbm4b:s11+s2], $0x80, v2, vm0, $0xb8;
	[tilespmem:$0x1C200] =	vst v63  }
0x1a5: {  	_ =	swait.ge [sflag:s26], $0x4000  }
0x1a6: {  	[sflag:s26] =	ssyncset.done $0x0  }
0x1a7: {  	s29 =	rddreg [dreg:$0xd];
	[sflag:s26] =	ssyncadd.s32 $0xFFFFC000  }
0x1a8: {  	[hbm4b:s29+s2] =	stream.linear.scatter [tilespmem:s20], [sflag:$0x4], $0x4000, $0x38;
	[tilespmem:$0x1C200] =	vst v63  }
0x1a9: {  	_ =	swait.ge [sflag:s22], $0x4000  }
0x1aa: {  	[sflag:s22] =	ssyncset.done $0x0  }
0x1ab: {  	[sflag:s22] =	ssyncadd.s32 $0xFFFFC000  }
0x1ac: {  	_ =	swait.ge [sflag:s26], $0x4000  }
0x1ad: {  	[sflag:s26] =	ssyncset.done $0x0  }
0x1ae: {  	s30 =	rddreg [dreg:$0xe];
	[sflag:s26] =	ssyncadd.s32 $0xFFFFC000  }
0x1af: {  	[hbm4b:s30+s2] =	stream.linear.scatter [tilespmem:s12], [sflag:$0x5], $0x4000, $0x38;
	[tilespmem:$0x1C200] =	vst v63  }
0x1b0: {  	_ =	swait.ge [sflag:s13], $0x4000  }
0x1b1: {  	[sflag:s13] =	ssyncset.done $0x0  }
0x1b2: {  	[sflag:s13] =	ssyncadd.s32 $0xFFFFC000  }
0x1b3: {  	_ =	swait.ge [sflag:s26], $0x4000  }
0x1b4: {  	[sflag:s26] =	ssyncset.done $0x0  }
0x1b5: {  	s1 =	rddreg [dreg:$0xf];
	[sflag:s26] =	ssyncadd.s32 $0xFFFFC000  }
0x1b6: {  	[hbm4b:s1+s2] =	stream.linear.scatter [tilespmem:s18], [sflag:$0x6], $0x4000, $0x38;
	[tilespmem:$0x1C200] =	vst v63  }
0x1b7: {  	_ =	swait.ge [sflag:s14], $0x4000  }
0x1b8: {  	[sflag:s14] =	ssyncset.done $0x0  }
0x1b9: {  	[sflag:s14] =	ssyncadd.s32 $0xFFFFC000  }
0x1ba: {  	_ =	swait.ge [sflag:s26], $0x4000  }
0x1bb: {  	[sflag:s26] =	ssyncset.done $0x0  }
0x1bc: {  	s4 =	rddreg [dreg:$0x10];
	[sflag:s26] =	ssyncadd.s32 $0xFFFFC000  }
0x1bd: {  	[hbm4b:s4+s2] =	stream.linear.scatter [tilespmem:s23], [sflag:$0x7], $0x4000, $0x38;
	[tilespmem:$0x1C200] =	vst v63  }
0x1be: {  	_ =	swait.ge [sflag:s15], $0x4000  }
0x1bf: {  	[sflag:s15] =	ssyncset.done $0x0  }
0x1c0: {  	[sflag:s15] =	ssyncadd.s32 $0xFFFFC000  }
0x1c1: {  	_ =	swait.ge [sflag:s26], $0x4000  }
0x1c2: {  	[sflag:s26] =	ssyncset.done $0x0  }
0x1c3: {  	s17 =	rddreg [dreg:$0x11];
	[sflag:s26] =	ssyncadd.s32 $0xFFFFC000  }
0x1c4: {  	[hbm4b:s17+s2] =	stream.linear.scatter [tilespmem:s28], [sflag:$0x8], $0x4000, $0x38;
	[tilespmem:$0x1C200] =	vst v63  }
0x1c5: {  	_ =	swait.ge [sflag:s25], $0x4000  }
0x1c6: {  	[sflag:s25] =	ssyncset.done $0x0  }
0x1c7: {  	[sflag:s25] =	ssyncadd.s32 $0xFFFFC000  }
0x1c8: {  	_ =	swait.ge [sflag:s26], $0x4000  }
0x1c9: {  	[sflag:s26] =	ssyncset.done $0x0  }
0x1ca: {  	s29 =	rddreg [dreg:$0x12];
	[sflag:s26] =	ssyncadd.s32 $0xFFFFC000  }
0x1cb: {  	[hbm4b:s29+s2] =	stream.linear.scatter [tilespmem:s0], [sflag:$0x2], $0x4000, $0x38;
	[tilespmem:$0x1C200] =	vst v63  }
0x1cc: {  	_ =	swait.ge [sflag:s16], $0x4000  }
0x1cd: {  	[sflag:s16] =	ssyncset.done $0x0  }
0x1ce: {  	[sflag:s16] =	ssyncadd.s32 $0xFFFFC000  }
0x1cf: {  	_ =	swait.ge [sflag:s21], $0x4000  }
0x1d0: {  	s17 =	rddreg [dreg:$0x14]  }
0x1d1: {  	s30 =	rddreg [dreg:$0x13];
	s17 =	sadd.s32 $0x1, s17  }
0x1d2: {  	p0 =	sne.s32 s17, s30  }
.Ltmp1:
0x1d3: {  	_ = 	snop;
	(pc) =	sbr.rel @p0 .LBB2_1-.Ltmp1, $3  }
0x1d4: {  	_ =	sdelay $0x1  }
0x1d5: {  	s1 =	simm.s32 $0x1AA00;
	[sflag:s21] =	ssyncset.done $0x0  }
0x1d6: {  	s4 =	simm.s32 $0x1B200;
	s0 =	simm.s32 $0x1A200;
	[sflag:s21] =	ssyncadd.s32 $0xFFFFC000  }
0x1d7: {  	_ =	sfence.sel $0x180000  }
0x1d8: {  	[bflag:$0x0] =	sbarrier.arrive $0xFFFF  }
0x1d9: {  	_ =	strace $0x90000047  }
0x1da: {  	s0 =	stileid.u32;
	[bflag:$0x2] =	sbarrier.arrive $0xFFFF  }
0x1db: {  	p0 =	sne.s32 s0, $0x0;
	s0 =	rddreg [dreg:$0x2]  }
0x1dc: {  	s0 =	sadd.s32 @!p0 $0x100000, s0  }
0x1dd: {  	[sflag:s0] =	ssyncadd.tile.s32 @!p0 $0x1;
	_ =	shalt  }
.Lfunc_end2:
_tile_overlayer_lowered:
.L_overlay_start_2:
0x1de: {  	(tag) =	ssettag $0x2  }
0x1df: {  	s0 =	rddreg [dreg:$0x0];
	s2 =	stileid.u32  }
0x1e0: {  	s1 =	rddreg [dreg:$0x1];
	p0 =	sne.s32 s2, $0x0  }
0x1e1: {  	s3 =	rddreg [dreg:$0x2];
	[bflag:$0x3] =	sbarrier.arrive $0xFFFF;
	s2 =	simm.s32 @!p0 $0x1C09  }
0x1e2: {  	[timem:s3], [sflag:s2] =	dma.local @!p0 [hbm:s0], s1  }
0x1e3: {  	s0 =	simm.s32 @!p0 $0x9  }
0x1e4: {  	_ =	swait.ge @!p0 [sflag:s0], s1  }
0x1e5: {  	s1 =	ssub.s32 @!p0 $0x0, s1;
	[sflag:s0] =	ssyncset.done @!p0 $0x0  }
0x1e6: {  	[sflag:s0] =	ssyncadd.s32 @!p0 s1  }
0x1e7: {  	[bflag:$0x3] =	sbarrier.arrive $0xFFFF  }
0x1e8: {  	_ =	shalt  }

</sc_bundles>
